<compile_context>
chip_gen: v7x
topology: tpu7x:2x2x1
jax: 0.10.2.dev20260603
libtpu: 0.0.44.dev20260713+nightly
codegen_flags: <defaults>
</compile_context>

<pallas_src>
import jax
import jax.numpy as jnp
from jax import lax
from jax.experimental import pallas as pl
from jax.experimental.pallas import tpu as pltpu
from jax.experimental.pallas import tpu_sc as plsc

N_ATOMS = 10000
N_PAIRS = 320000
N_EMB = 128
N_DIST = 100
N_HID = 256
N_HIDP = N_HID // 2

NC = 2
NS = 16
NW = NC * NS
PAIRS_PER_W = N_PAIRS // NW
CHUNK = 128
N_FULL = PAIRS_PER_W // CHUNK
TAIL = PAIRS_PER_W - N_FULL * CHUNK

ROW_BLK = 2000
PAIR_BLK = 2560


def _prep_body(af_ref, wcf_ref, bcf_ref, bdf_ref, wfc_ref,
               afhp_ref, base_ref):
    af = af_ref[...]
    afh = jnp.dot(af, wcf_ref[...], preferred_element_type=jnp.float32)
    afh = afh + bcf_ref[...]
    bits = lax.bitcast_convert_type(afh, jnp.uint32)
    rnd = bits + jnp.uint32(0x7FFF) + ((bits >> 16) & jnp.uint32(1))
    lo = rnd[:, :N_HIDP] >> 16
    hi = rnd[:, N_HIDP:] & jnp.uint32(0xFFFF0000)
    afhp_ref[...] = lo | hi
    oii = jnp.tanh(jnp.dot(bdf_ref[...] * afh, wfc_ref[...],
                           preferred_element_type=jnp.float32))
    base_ref[...] = af - oii


def _prep(atom_features, W_cf, b_cf2, b_df2, W_fc):
    return pl.pallas_call(
        _prep_body,
        grid=(N_ATOMS // ROW_BLK,),
        in_specs=[
            pl.BlockSpec((ROW_BLK, N_EMB), lambda b: (b, 0)),
            pl.BlockSpec((N_EMB, N_HID), lambda b: (0, 0)),
            pl.BlockSpec((1, N_HID), lambda b: (0, 0)),
            pl.BlockSpec((1, N_HID), lambda b: (0, 0)),
            pl.BlockSpec((N_HID, N_EMB), lambda b: (0, 0)),
        ],
        out_specs=[
            pl.BlockSpec((ROW_BLK, N_HIDP), lambda b: (b, 0)),
            pl.BlockSpec((ROW_BLK, N_EMB), lambda b: (b, 0)),
        ],
        out_shape=[
            jax.ShapeDtypeStruct((N_ATOMS, N_HIDP), jnp.uint32),
            jax.ShapeDtypeStruct((N_ATOMS, N_EMB), jnp.float32),
        ],
    )(atom_features, W_cf, b_cf2, b_df2, W_fc)


def _gather_body(afh_hbm, j_hbm, out_hbm,
                 idx0, idx1, rows0, rows1,
                 si0, si1, sg0, sg1, sw0, sw1):
    wid = lax.axis_index("s") * NC + lax.axis_index("c")
    base = wid * PAIRS_PER_W

    def pair(g, carry):
        o0 = pl.multiple_of(base + (2 * g) * CHUNK, 8)
        o1 = pl.multiple_of(base + (2 * g + 1) * CHUNK, 8)
        ci0 = pltpu.async_copy(j_hbm.at[pl.ds(o0, CHUNK)], idx0, si0)
        ci1 = pltpu.async_copy(j_hbm.at[pl.ds(o1, CHUNK)], idx1, si1)
        ci0.wait()
        cg0 = pltpu.async_copy(afh_hbm.at[idx0], rows0, sg0)
        ci1.wait()
        cg1 = pltpu.async_copy(afh_hbm.at[idx1], rows1, sg1)
        cg0.wait()
        cw0 = pltpu.async_copy(rows0, out_hbm.at[pl.ds(o0, CHUNK)], sw0)
        cg1.wait()
        cw1 = pltpu.async_copy(rows1, out_hbm.at[pl.ds(o1, CHUNK)], sw1)
        cw0.wait()
        cw1.wait()
        return carry

    lax.fori_loop(0, N_FULL // 2, pair, 0)
    ot = pl.multiple_of(base + N_FULL * CHUNK, 8)
    pltpu.sync_copy(j_hbm.at[pl.ds(ot, TAIL)], idx0.at[pl.ds(0, TAIL)])
    pltpu.async_copy(afh_hbm.at[idx0.at[pl.ds(0, TAIL)]],
                     rows0.at[pl.ds(0, TAIL)], sg0).wait()
    pltpu.sync_copy(rows0.at[pl.ds(0, TAIL)], out_hbm.at[pl.ds(ot, TAIL)])


def _gather(afh_packed, j32):
    return pl.kernel(
        _gather_body,
        out_type=jax.ShapeDtypeStruct((N_PAIRS, N_HIDP), jnp.uint32),
        mesh=plsc.VectorSubcoreMesh(core_axis_name="c", subcore_axis_name="s"),
        scratch_types=[
            pltpu.VMEM((CHUNK,), jnp.int32),
            pltpu.VMEM((CHUNK,), jnp.int32),
            pltpu.VMEM((CHUNK, N_HIDP), jnp.uint32),
            pltpu.VMEM((CHUNK, N_HIDP), jnp.uint32),
            pltpu.SemaphoreType.DMA,
            pltpu.SemaphoreType.DMA,
            pltpu.SemaphoreType.DMA,
            pltpu.SemaphoreType.DMA,
            pltpu.SemaphoreType.DMA,
            pltpu.SemaphoreType.DMA,
        ],
    )(afh_packed, j32)


def _pair_body(dist_ref, g_ref, wdf_ref, bdf_ref, wfc_ref, out_ref):
    dh = jnp.dot(dist_ref[...], wdf_ref[...], preferred_element_type=jnp.float32)
    dh = dh + bdf_ref[...]
    gi = g_ref[...]
    g_lo = lax.bitcast_convert_type(gi << 16, jnp.float32)
    g_hi = lax.bitcast_convert_type(gi & jnp.uint32(0xFFFF0000), jnp.float32)
    t_lo = dh[:, :N_HIDP] * g_lo
    t_hi = dh[:, N_HIDP:] * g_hi
    wfc = wfc_ref[...]
    acc = jnp.dot(t_lo, wfc[:N_HIDP, :], preferred_element_type=jnp.float32)
    acc = acc + jnp.dot(t_hi, wfc[N_HIDP:, :], preferred_element_type=jnp.float32)
    out_ref[...] = jnp.tanh(acc)


def _pairs(distance, gathered, W_df, b_df2, W_fc):
    return pl.pallas_call(
        _pair_body,
        grid=(N_PAIRS // PAIR_BLK,),
        in_specs=[
            pl.BlockSpec((PAIR_BLK, N_DIST), lambda b: (b, 0)),
            pl.BlockSpec((PAIR_BLK, N_HIDP), lambda b: (b, 0)),
            pl.BlockSpec((N_DIST, N_HID), lambda b: (0, 0)),
            pl.BlockSpec((1, N_HID), lambda b: (0, 0)),
            pl.BlockSpec((N_HID, N_EMB), lambda b: (0, 0)),
        ],
        out_specs=pl.BlockSpec((PAIR_BLK, N_EMB), lambda b: (b, 0)),
        out_shape=jax.ShapeDtypeStruct((N_PAIRS, N_EMB), jnp.float32),
    )(distance, gathered, W_df, b_df2, W_fc)


def _scatter_body(rows_hbm, i_hbm, zeros_hbm, out_hbm,
                  idx0, idx1, rows0, rows1, acc_sh, s0, s1):
    c = lax.axis_index("c")
    s = lax.axis_index("s")
    stripe = 640
    tail_rows = N_ATOMS - (NS - 1) * stripe

    @pl.when(s < NS - 1)
    def _():
        pltpu.sync_copy(zeros_hbm.at[pl.ds(s * stripe, stripe)],
                        acc_sh.at[pl.ds(s * stripe, stripe)])

    @pl.when(s == NS - 1)
    def _():
        pltpu.sync_copy(zeros_hbm.at[pl.ds((NS - 1) * stripe, tail_rows)],
                        acc_sh.at[pl.ds((NS - 1) * stripe, tail_rows)])

    plsc.subcore_barrier()

    base = (c * NS + s) * PAIRS_PER_W

    def load(ck, idx_v, rows_v, sem):
        off = pl.multiple_of(base + ck * CHUNK, 8)
        pltpu.async_copy(i_hbm.at[pl.ds(off, CHUNK)], idx_v, sem)
        pltpu.async_copy(rows_hbm.at[pl.ds(off, CHUNK)], rows_v, sem)

    def wait2(sem, idx_v, rows_v):
        pltpu.make_async_copy(i_hbm.at[pl.ds(0, CHUNK)], idx_v, sem).wait()
        pltpu.make_async_copy(rows_hbm.at[pl.ds(0, CHUNK)], rows_v, sem).wait()

    load(0, idx0, rows0, s0)

    def loop(g, carry):
        c0 = 2 * g
        c1 = 2 * g + 1
        load(c1, idx1, rows1, s1)
        wait2(s0, idx0, rows0)
        pltpu.sync_copy(rows0, acc_sh.at[idx0], add=True)

        @pl.when(c0 + 2 < N_FULL)
        def _():
            load(c0 + 2, idx0, rows0, s0)

        wait2(s1, idx1, rows1)
        pltpu.sync_copy(rows1, acc_sh.at[idx1], add=True)
        return carry

    lax.fori_loop(0, N_FULL // 2, loop, 0)

    ot = pl.multiple_of(base + N_FULL * CHUNK, 8)
    pltpu.sync_copy(i_hbm.at[pl.ds(ot, TAIL)], idx0.at[pl.ds(0, TAIL)])
    pltpu.sync_copy(rows_hbm.at[pl.ds(ot, TAIL)], rows0.at[pl.ds(0, TAIL)])
    pltpu.sync_copy(rows0.at[pl.ds(0, TAIL)],
                    acc_sh.at[idx0.at[pl.ds(0, TAIL)]], add=True)

    plsc.subcore_barrier()

    @pl.when(s < NS - 1)
    def _():
        pltpu.sync_copy(acc_sh.at[pl.ds(s * stripe, stripe)],
                        out_hbm.at[c].at[pl.ds(s * stripe, stripe)])

    @pl.when(s == NS - 1)
    def _():
        pltpu.sync_copy(acc_sh.at[pl.ds((NS - 1) * stripe, tail_rows)],
                        out_hbm.at[c].at[pl.ds((NS - 1) * stripe, tail_rows)])


def _scatter(outputs, i32, zeros):
    return pl.kernel(
        _scatter_body,
        out_type=jax.ShapeDtypeStruct((NC, N_ATOMS, N_EMB), jnp.float32),
        mesh=plsc.VectorSubcoreMesh(core_axis_name="c", subcore_axis_name="s"),
        scratch_types=[
            pltpu.VMEM((CHUNK,), jnp.int32),
            pltpu.VMEM((CHUNK,), jnp.int32),
            pltpu.VMEM((CHUNK, N_EMB), jnp.float32),
            pltpu.VMEM((CHUNK, N_EMB), jnp.float32),
            pltpu.VMEM_SHARED((N_ATOMS, N_EMB), jnp.float32),
            pltpu.SemaphoreType.DMA,
            pltpu.SemaphoreType.DMA,
        ],
    )(outputs, i32, zeros)


def _combine_body(p_ref, base_ref, out_ref):
    out_ref[...] = p_ref[0] + p_ref[1] + base_ref[...]


def _combine(partials, base):
    return pl.pallas_call(
        _combine_body,
        grid=(N_ATOMS // ROW_BLK,),
        in_specs=[
            pl.BlockSpec((NC, ROW_BLK, N_EMB), lambda b: (0, b, 0)),
            pl.BlockSpec((ROW_BLK, N_EMB), lambda b: (b, 0)),
        ],
        out_specs=pl.BlockSpec((ROW_BLK, N_EMB), lambda b: (b, 0)),
        out_shape=jax.ShapeDtypeStruct((N_ATOMS, N_EMB), jnp.float32),
    )(partials, base)


def kernel(atom_features, distance, distance_membership_i,
           distance_membership_j, W_cf, W_df, W_fc, b_cf, b_df):
    i32 = distance_membership_i.astype(jnp.int32)
    j32 = distance_membership_j.astype(jnp.int32)
    b_cf2 = b_cf.reshape(1, N_HID)
    b_df2 = b_df.reshape(1, N_HID)

    afh_packed, base = _prep(atom_features, W_cf, b_cf2, b_df2, W_fc)
    gathered = _gather(afh_packed, j32)
    outputs = _pairs(distance, gathered, W_df, b_df2, W_fc)
    zeros = jnp.zeros((N_ATOMS, N_EMB), jnp.float32)
    partials = _scatter(outputs, i32, zeros)
    return _combine(partials, base)

# --- scband reference (transcript-rebuilt; emitter-appended) ---
"""Pipeline reference for scband-dtnnstep-28982439313940 (READ-ONLY COPY).

The authoritative reference and input builder live on the scoring server;
editing this copy changes nothing except your own understanding.
"""

import jax, jax.numpy as jnp
import numpy as np

N_ATOMS = 10000
N_PAIRS = 320000
N_EMBEDDING = 128
N_DISTANCE = 100
N_HIDDEN = 256


def _glorot(key, shape):
    fan_in, fan_out = shape[0], shape[1]
    limit = np.sqrt(6.0 / (fan_in + fan_out))
    return jax.random.uniform(key, shape, jnp.float32, -limit, limit)


def setup_inputs(seed: int = 0) -> dict:
    key = jax.random.key(seed)
    ks = jax.random.split(key, 7)
    atom_features = jax.random.normal(ks[0], (N_ATOMS, N_EMBEDDING), jnp.float32)
    distance = jax.random.uniform(ks[1], (N_PAIRS, N_DISTANCE), jnp.float32)
    distance_membership_i = jnp.sort(
        jax.random.randint(ks[2], (N_PAIRS,), 0, N_ATOMS, dtype=jnp.int64))
    distance_membership_j = jax.random.randint(
        ks[3], (N_PAIRS,), 0, N_ATOMS, dtype=jnp.int64)
    W_cf = _glorot(ks[4], (N_EMBEDDING, N_HIDDEN))
    W_df = _glorot(ks[5], (N_DISTANCE, N_HIDDEN))
    W_fc = _glorot(ks[6], (N_HIDDEN, N_EMBEDDING))
    b_cf = jnp.zeros((N_HIDDEN,), jnp.float32)
    b_df = jnp.zeros((N_HIDDEN,), jnp.float32)
    return {
        "atom_features": atom_features,
        "distance": distance,
        "distance_membership_i": distance_membership_i,
        "distance_membership_j": distance_membership_j,
        "W_cf": W_cf,
        "W_df": W_df,
        "W_fc": W_fc,
        "b_cf": b_cf,
        "b_df": b_df,
    }


def reference(atom_features, distance, distance_membership_i,
              distance_membership_j, W_cf, W_df, W_fc, b_cf, b_df):
    n_atoms = atom_features.shape[0]
    distance_hidden = jnp.matmul(distance, W_df) + b_df
    atom_features_hidden = jnp.matmul(atom_features, W_cf) + b_cf
    outputs = distance_hidden * jnp.take(atom_features_hidden,
                                         distance_membership_j, axis=0)
    outputs = jnp.tanh(jnp.matmul(outputs, W_fc))
    output_ii = b_df * atom_features_hidden
    output_ii = jnp.tanh(jnp.matmul(output_ii, W_fc))
    pooled = jax.ops.segment_sum(outputs, distance_membership_i,
                                 num_segments=n_atoms)
    return pooled - output_ii + atom_features

if __name__ == "__main__":
    import jax
    _d = setup_inputs()
    print(jax.jit(kernel)(*tuple(_d.values())))

</pallas_src>

<mosaic_0001>
#map = affine_map<(d0, d1) -> (0, 0)>
#map1 = affine_map<(d0, d1) -> (0)>
module attributes {stable_mosaic.version = 14 : i64} {
  func.func @_gather_body(%arg0: i32, %arg1: i32, %arg2: memref<10000x128xi32, #tpu.memory_space<hbm>>, %arg3: memref<320000xi32, #tpu.memory_space<hbm>>, %arg4: memref<320000x128xi32, #tpu.memory_space<hbm>>, %arg5: memref<128xi32, #tpu.memory_space<vmem>>, %arg6: memref<128xi32, #tpu.memory_space<vmem>>, %arg7: memref<128x128xi32, #tpu.memory_space<vmem>>, %arg8: memref<128x128xi32, #tpu.memory_space<vmem>>, %arg9: memref<!tpu.dma_semaphore, #tpu.memory_space<semaphore_mem>>, %arg10: memref<!tpu.dma_semaphore, #tpu.memory_space<semaphore_mem>>, %arg11: memref<!tpu.dma_semaphore, #tpu.memory_space<semaphore_mem>>, %arg12: memref<!tpu.dma_semaphore, #tpu.memory_space<semaphore_mem>>, %arg13: memref<!tpu.dma_semaphore, #tpu.memory_space<semaphore_mem>>, %arg14: memref<!tpu.dma_semaphore, #tpu.memory_space<semaphore_mem>>) attributes {dimension_semantics = [#tpu.dimension_semantics<core_parallel>, #tpu.dimension_semantics<subcore_parallel>], iteration_bounds = array<i64: 2, 16>, scalar_prefetch = 0 : i64, scratch_operands = 10 : i64, tpu.core_type = #tpu.core_type<sc_vector_subcore>, window_params = [{transform_indices = #map}, {transform_indices = #map1}, {transform_indices = #map}]} {
    %mul3A = arith.constant 2 : i32
    %mul3A_0 = arith.muli %arg1, %mul3A : i32
    %add3A = arith.addi %mul3A_0, %arg0 : i32
    %mul3A_1 = arith.constant 10000 : i32
    %mul3A_2 = arith.muli %add3A, %mul3A_1 : i32
    %scan3A = arith.constant 0 : i32
    %scan3A_3 = arith.constant 0 : i32
    %scan3A_4 = arith.constant 39 : i32
    %scan3A_5 = arith.addi %scan3A_3, %scan3A_4 : i32
    %scan3A_6 = arith.constant 1 : i32
    scf.for %scan3A_24 = %scan3A_3 to %scan3A_5 step %scan3A_6  : i32 {
      %mul3A_25 = arith.constant 2 : i32
      %mul3A_26 = arith.muli %mul3A_25, %scan3A_24 : i32
      %mul3A_27 = arith.constant 128 : i32
      %mul3A_28 = arith.muli %mul3A_26, %mul3A_27 : i32
      %add3A_29 = arith.addi %mul3A_2, %mul3A_28 : i32
      %multiple_of3A_30 = tpu.assume_multiple %add3A_29, 8 : i32
      %mul3A_31 = arith.constant 2 : i32
      %mul3A_32 = arith.muli %mul3A_31, %scan3A_24 : i32
      %add3A_33 = arith.constant 1 : i32
      %add3A_34 = arith.addi %mul3A_32, %add3A_33 : i32
      %mul3A_35 = arith.constant 128 : i32
      %mul3A_36 = arith.muli %add3A_34, %mul3A_35 : i32
      %add3A_37 = arith.addi %mul3A_2, %mul3A_36 : i32
      %multiple_of3A_38 = tpu.assume_multiple %add3A_37, 8 : i32
      %dma_start3A_39 = tpu.memref_slice %arg3[%multiple_of3A_30] : memref<320000xi32, #tpu.memory_space<hbm>> -> memref<128xi32, #tpu.memory_space<hbm>>
      %dma_start3A_40 = tpu.memref_slice %arg3[%multiple_of3A_30] : memref<320000xi32, #tpu.memory_space<hbm>> -> memref<128xi32, #tpu.memory_space<hbm>>
      tpu.enqueue_dma source(%dma_start3A_40 : memref<128xi32, #tpu.memory_space<hbm>>) target(%arg5 : memref<128xi32, #tpu.memory_space<vmem>>) target_semaphore(%arg9 : memref<!tpu.dma_semaphore, #tpu.memory_space<semaphore_mem>>)
      %dma_start3A_41 = tpu.memref_slice %arg3[%multiple_of3A_38] : memref<320000xi32, #tpu.memory_space<hbm>> -> memref<128xi32, #tpu.memory_space<hbm>>
      %dma_start3A_42 = tpu.memref_slice %arg3[%multiple_of3A_38] : memref<320000xi32, #tpu.memory_space<hbm>> -> memref<128xi32, #tpu.memory_space<hbm>>
      tpu.enqueue_dma source(%dma_start3A_42 : memref<128xi32, #tpu.memory_space<hbm>>) target(%arg6 : memref<128xi32, #tpu.memory_space<vmem>>) target_semaphore(%arg10 : memref<!tpu.dma_semaphore, #tpu.memory_space<semaphore_mem>>)
      %dma_wait3A_43 = tpu.memref_slice %arg3[%multiple_of3A_30] : memref<320000xi32, #tpu.memory_space<hbm>> -> memref<128xi32, #tpu.memory_space<hbm>>
      %dma_wait3A_44 = tpu.memref_slice %arg3[%multiple_of3A_30] : memref<320000xi32, #tpu.memory_space<hbm>> -> memref<128xi32, #tpu.memory_space<hbm>>
      tpu.wait_dma2 semaphore(%arg9 : memref<!tpu.dma_semaphore, #tpu.memory_space<semaphore_mem>>) src(%dma_wait3A_44 : memref<128xi32, #tpu.memory_space<hbm>>) dst(%arg5 : memref<128xi32, #tpu.memory_space<vmem>>)
      %dma_start3A_45 = arith.constant 0 : i32
      %dma_start3A_46 = arith.constant 0 : i32
      %dma_start3A_47 = tpu.memref_slice %arg2[%dma_start3A_45, %dma_start3A_46] : memref<10000x128xi32, #tpu.memory_space<hbm>> -> memref<10000x128xi32, #tpu.memory_space<hbm>>
      tpu.enqueue_indirect_dma source(%dma_start3A_47 : memref<10000x128xi32, #tpu.memory_space<hbm>>) target(%arg7 : memref<128x128xi32, #tpu.memory_space<vmem>>) offsets(%arg5 : memref<128xi32, #tpu.memory_space<vmem>>) semaphore(%arg11 : memref<!tpu.dma_semaphore, #tpu.memory_space<semaphore_mem>>)
      %dma_wait3A_48 = tpu.memref_slice %arg3[%multiple_of3A_38] : memref<320000xi32, #tpu.memory_space<hbm>> -> memref<128xi32, #tpu.memory_space<hbm>>
      %dma_wait3A_49 = tpu.memref_slice %arg3[%multiple_of3A_38] : memref<320000xi32, #tpu.memory_space<hbm>> -> memref<128xi32, #tpu.memory_space<hbm>>
      tpu.wait_dma2 semaphore(%arg10 : memref<!tpu.dma_semaphore, #tpu.memory_space<semaphore_mem>>) src(%dma_wait3A_49 : memref<128xi32, #tpu.memory_space<hbm>>) dst(%arg6 : memref<128xi32, #tpu.memory_space<vmem>>)
      %dma_start3A_50 = arith.constant 0 : i32
      %dma_start3A_51 = arith.constant 0 : i32
      %dma_start3A_52 = tpu.memref_slice %arg2[%dma_start3A_50, %dma_start3A_51] : memref<10000x128xi32, #tpu.memory_space<hbm>> -> memref<10000x128xi32, #tpu.memory_space<hbm>>
      tpu.enqueue_indirect_dma source(%dma_start3A_52 : memref<10000x128xi32, #tpu.memory_space<hbm>>) target(%arg8 : memref<128x128xi32, #tpu.memory_space<vmem>>) offsets(%arg6 : memref<128xi32, #tpu.memory_space<vmem>>) semaphore(%arg12 : memref<!tpu.dma_semaphore, #tpu.memory_space<semaphore_mem>>)
      %dma_wait3A_53 = arith.constant 0 : i32
      %dma_wait3A_54 = arith.constant 0 : i32
      %dma_wait3A_55 = tpu.memref_slice %arg2[%dma_wait3A_53, %dma_wait3A_54] : memref<10000x128xi32, #tpu.memory_space<hbm>> -> memref<10000x128xi32, #tpu.memory_space<hbm>>
      tpu.wait_indirect_dma semaphore(%arg11 : memref<!tpu.dma_semaphore, #tpu.memory_space<semaphore_mem>>) src(%dma_wait3A_55 : memref<10000x128xi32, #tpu.memory_space<hbm>>) dst(%arg7 : memref<128x128xi32, #tpu.memory_space<vmem>>)
      %dma_start3A_56 = arith.constant 0 : i32
      %dma_start3A_57 = tpu.memref_slice %arg4[%multiple_of3A_30, %dma_start3A_56] : memref<320000x128xi32, #tpu.memory_space<hbm>> -> memref<128x128xi32, #tpu.memory_space<hbm>>
      %dma_start3A_58 = arith.constant 0 : i32
      %dma_start3A_59 = tpu.memref_slice %arg4[%multiple_of3A_30, %dma_start3A_58] : memref<320000x128xi32, #tpu.memory_space<hbm>> -> memref<128x128xi32, #tpu.memory_space<hbm>>
      tpu.enqueue_dma source(%arg7 : memref<128x128xi32, #tpu.memory_space<vmem>>) target(%dma_start3A_59 : memref<128x128xi32, #tpu.memory_space<hbm>>) target_semaphore(%arg13 : memref<!tpu.dma_semaphore, #tpu.memory_space<semaphore_mem>>)
      %dma_wait3A_60 = arith.constant 0 : i32
      %dma_wait3A_61 = arith.constant 0 : i32
      %dma_wait3A_62 = tpu.memref_slice %arg2[%dma_wait3A_60, %dma_wait3A_61] : memref<10000x128xi32, #tpu.memory_space<hbm>> -> memref<10000x128xi32, #tpu.memory_space<hbm>>
      tpu.wait_indirect_dma semaphore(%arg12 : memref<!tpu.dma_semaphore, #tpu.memory_space<semaphore_mem>>) src(%dma_wait3A_62 : memref<10000x128xi32, #tpu.memory_space<hbm>>) dst(%arg8 : memref<128x128xi32, #tpu.memory_space<vmem>>)
      %dma_start3A_63 = arith.constant 0 : i32
      %dma_start3A_64 = tpu.memref_slice %arg4[%multiple_of3A_38, %dma_start3A_63] : memref<320000x128xi32, #tpu.memory_space<hbm>> -> memref<128x128xi32, #tpu.memory_space<hbm>>
      %dma_start3A_65 = arith.constant 0 : i32
      %dma_start3A_66 = tpu.memref_slice %arg4[%multiple_of3A_38, %dma_start3A_65] : memref<320000x128xi32, #tpu.memory_space<hbm>> -> memref<128x128xi32, #tpu.memory_space<hbm>>
      tpu.enqueue_dma source(%arg8 : memref<128x128xi32, #tpu.memory_space<vmem>>) target(%dma_start3A_66 : memref<128x128xi32, #tpu.memory_space<hbm>>) target_semaphore(%arg14 : memref<!tpu.dma_semaphore, #tpu.memory_space<semaphore_mem>>)
      %dma_wait3A_67 = arith.constant 0 : i32
      %dma_wait3A_68 = tpu.memref_slice %arg4[%multiple_of3A_30, %dma_wait3A_67] : memref<320000x128xi32, #tpu.memory_space<hbm>> -> memref<128x128xi32, #tpu.memory_space<hbm>>
      %dma_wait3A_69 = arith.constant 0 : i32
      %dma_wait3A_70 = tpu.memref_slice %arg4[%multiple_of3A_30, %dma_wait3A_69] : memref<320000x128xi32, #tpu.memory_space<hbm>> -> memref<128x128xi32, #tpu.memory_space<hbm>>
      tpu.wait_dma2 semaphore(%arg13 : memref<!tpu.dma_semaphore, #tpu.memory_space<semaphore_mem>>) src(%arg7 : memref<128x128xi32, #tpu.memory_space<vmem>>) dst(%dma_wait3A_70 : memref<128x128xi32, #tpu.memory_space<hbm>>)
      %dma_wait3A_71 = arith.constant 0 : i32
      %dma_wait3A_72 = tpu.memref_slice %arg4[%multiple_of3A_38, %dma_wait3A_71] : memref<320000x128xi32, #tpu.memory_space<hbm>> -> memref<128x128xi32, #tpu.memory_space<hbm>>
      %dma_wait3A_73 = arith.constant 0 : i32
      %dma_wait3A_74 = tpu.memref_slice %arg4[%multiple_of3A_38, %dma_wait3A_73] : memref<320000x128xi32, #tpu.memory_space<hbm>> -> memref<128x128xi32, #tpu.memory_space<hbm>>
      tpu.wait_dma2 semaphore(%arg14 : memref<!tpu.dma_semaphore, #tpu.memory_space<semaphore_mem>>) src(%arg8 : memref<128x128xi32, #tpu.memory_space<vmem>>) dst(%dma_wait3A_74 : memref<128x128xi32, #tpu.memory_space<hbm>>)
    }
    %scan3A_7 = arith.constant 39 : i32
    %add3A_8 = arith.constant 9984 : i32
    %add3A_9 = arith.addi %mul3A_2, %add3A_8 : i32
    %multiple_of3A = tpu.assume_multiple %add3A_9, 8 : i32
    "tpu.region"() ({
      %run_scoped3A = tpu.sem_alloc : memref<!tpu.dma_semaphore, #tpu.memory_space<semaphore_mem>>
      %dma_start3A_24 = arith.constant 0 : i32
      %dma_start3A_25 = tpu.memref_slice %arg5[%dma_start3A_24] : memref<128xi32, #tpu.memory_space<vmem>> -> memref<16xi32, #tpu.memory_space<vmem>>
      %dma_start3A_26 = tpu.memref_slice %arg3[%multiple_of3A] : memref<320000xi32, #tpu.memory_space<hbm>> -> memref<16xi32, #tpu.memory_space<hbm>>
      %dma_start3A_27 = arith.constant 0 : i32
      %dma_start3A_28 = tpu.memref_slice %arg5[%dma_start3A_27] : memref<128xi32, #tpu.memory_space<vmem>> -> memref<16xi32, #tpu.memory_space<vmem>>
      %dma_start3A_29 = tpu.memref_slice %arg3[%multiple_of3A] : memref<320000xi32, #tpu.memory_space<hbm>> -> memref<16xi32, #tpu.memory_space<hbm>>
      tpu.enqueue_dma source(%dma_start3A_29 : memref<16xi32, #tpu.memory_space<hbm>>) target(%dma_start3A_28 : memref<16xi32, #tpu.memory_space<vmem>>) target_semaphore(%run_scoped3A : memref<!tpu.dma_semaphore, #tpu.memory_space<semaphore_mem>>)
      %dma_wait3A_30 = arith.constant 0 : i32
      %dma_wait3A_31 = tpu.memref_slice %arg5[%dma_wait3A_30] : memref<128xi32, #tpu.memory_space<vmem>> -> memref<16xi32, #tpu.memory_space<vmem>>
      %dma_wait3A_32 = tpu.memref_slice %arg3[%multiple_of3A] : memref<320000xi32, #tpu.memory_space<hbm>> -> memref<16xi32, #tpu.memory_space<hbm>>
      %dma_wait3A_33 = arith.constant 0 : i32
      %dma_wait3A_34 = tpu.memref_slice %arg5[%dma_wait3A_33] : memref<128xi32, #tpu.memory_space<vmem>> -> memref<16xi32, #tpu.memory_space<vmem>>
      %dma_wait3A_35 = tpu.memref_slice %arg3[%multiple_of3A] : memref<320000xi32, #tpu.memory_space<hbm>> -> memref<16xi32, #tpu.memory_space<hbm>>
      tpu.wait_dma2 semaphore(%run_scoped3A : memref<!tpu.dma_semaphore, #tpu.memory_space<semaphore_mem>>) src(%dma_wait3A_35 : memref<16xi32, #tpu.memory_space<hbm>>) dst(%dma_wait3A_34 : memref<16xi32, #tpu.memory_space<vmem>>)
      tpu.yield
    }) : () -> ()
    %dma_start3A = arith.constant 0 : i32
    %dma_start3A_10 = arith.constant 0 : i32
    %dma_start3A_11 = tpu.memref_slice %arg7[%dma_start3A, %dma_start3A_10] : memref<128x128xi32, #tpu.memory_space<vmem>> -> memref<16x128xi32, #tpu.memory_space<vmem>>
    %dma_start3A_12 = arith.constant 0 : i32
    %dma_start3A_13 = tpu.memref_slice %arg5[%dma_start3A_12] : memref<128xi32, #tpu.memory_space<vmem>> -> memref<16xi32, #tpu.memory_space<vmem>>
    %dma_start3A_14 = arith.constant 0 : i32
    %dma_start3A_15 = arith.constant 0 : i32
    %dma_start3A_16 = tpu.memref_slice %arg2[%dma_start3A_14, %dma_start3A_15] : memref<10000x128xi32, #tpu.memory_space<hbm>> -> memref<10000x128xi32, #tpu.memory_space<hbm>>
    tpu.enqueue_indirect_dma source(%dma_start3A_16 : memref<10000x128xi32, #tpu.memory_space<hbm>>) target(%dma_start3A_11 : memref<16x128xi32, #tpu.memory_space<vmem>>) offsets(%dma_start3A_13 : memref<16xi32, #tpu.memory_space<vmem>>) semaphore(%arg11 : memref<!tpu.dma_semaphore, #tpu.memory_space<semaphore_mem>>)
    %dma_wait3A = arith.constant 0 : i32
    %dma_wait3A_17 = arith.constant 0 : i32
    %dma_wait3A_18 = tpu.memref_slice %arg7[%dma_wait3A, %dma_wait3A_17] : memref<128x128xi32, #tpu.memory_space<vmem>> -> memref<16x128xi32, #tpu.memory_space<vmem>>
    %dma_wait3A_19 = arith.constant 0 : i32
    %dma_wait3A_20 = tpu.memref_slice %arg5[%dma_wait3A_19] : memref<128xi32, #tpu.memory_space<vmem>> -> memref<16xi32, #tpu.memory_space<vmem>>
    %dma_wait3A_21 = arith.constant 0 : i32
    %dma_wait3A_22 = arith.constant 0 : i32
    %dma_wait3A_23 = tpu.memref_slice %arg2[%dma_wait3A_21, %dma_wait3A_22] : memref<10000x128xi32, #tpu.memory_space<hbm>> -> memref<10000x128xi32, #tpu.memory_space<hbm>>
    tpu.wait_indirect_dma semaphore(%arg11 : memref<!tpu.dma_semaphore, #tpu.memory_space<semaphore_mem>>) src(%dma_wait3A_23 : memref<10000x128xi32, #tpu.memory_space<hbm>>) dst(%dma_wait3A_18 : memref<16x128xi32, #tpu.memory_space<vmem>>)
    "tpu.region"() ({
      %run_scoped3A = tpu.sem_alloc : memref<!tpu.dma_semaphore, #tpu.memory_space<semaphore_mem>>
      %dma_start3A_24 = arith.constant 0 : i32
      %dma_start3A_25 = arith.constant 0 : i32
      %dma_start3A_26 = tpu.memref_slice %arg7[%dma_start3A_24, %dma_start3A_25] : memref<128x128xi32, #tpu.memory_space<vmem>> -> memref<16x128xi32, #tpu.memory_space<vmem>>
      %dma_start3A_27 = arith.constant 0 : i32
      %dma_start3A_28 = tpu.memref_slice %arg4[%multiple_of3A, %dma_start3A_27] : memref<320000x128xi32, #tpu.memory_space<hbm>> -> memref<16x128xi32, #tpu.memory_space<hbm>>
      %dma_start3A_29 = arith.constant 0 : i32
      %dma_start3A_30 = tpu.memref_slice %arg4[%multiple_of3A, %dma_start3A_29] : memref<320000x128xi32, #tpu.memory_space<hbm>> -> memref<16x128xi32, #tpu.memory_space<hbm>>
      %dma_start3A_31 = arith.constant 0 : i32
      %dma_start3A_32 = arith.constant 0 : i32
      %dma_start3A_33 = tpu.memref_slice %arg7[%dma_start3A_31, %dma_start3A_32] : memref<128x128xi32, #tpu.memory_space<vmem>> -> memref<16x128xi32, #tpu.memory_space<vmem>>
      tpu.enqueue_dma source(%dma_start3A_33 : memref<16x128xi32, #tpu.memory_space<vmem>>) target(%dma_start3A_30 : memref<16x128xi32, #tpu.memory_space<hbm>>) target_semaphore(%run_scoped3A : memref<!tpu.dma_semaphore, #tpu.memory_space<semaphore_mem>>)
      %dma_wait3A_34 = arith.constant 0 : i32
      %dma_wait3A_35 = arith.constant 0 : i32
      %dma_wait3A_36 = tpu.memref_slice %arg7[%dma_wait3A_34, %dma_wait3A_35] : memref<128x128xi32, #tpu.memory_space<vmem>> -> memref<16x128xi32, #tpu.memory_space<vmem>>
      %dma_wait3A_37 = arith.constant 0 : i32
      %dma_wait3A_38 = tpu.memref_slice %arg4[%multiple_of3A, %dma_wait3A_37] : memref<320000x128xi32, #tpu.memory_space<hbm>> -> memref<16x128xi32, #tpu.memory_space<hbm>>
      %dma_wait3A_39 = arith.constant 0 : i32
      %dma_wait3A_40 = tpu.memref_slice %arg4[%multiple_of3A, %dma_wait3A_39] : memref<320000x128xi32, #tpu.memory_space<hbm>> -> memref<16x128xi32, #tpu.memory_space<hbm>>
      %dma_wait3A_41 = arith.constant 0 : i32
      %dma_wait3A_42 = arith.constant 0 : i32
      %dma_wait3A_43 = tpu.memref_slice %arg7[%dma_wait3A_41, %dma_wait3A_42] : memref<128x128xi32, #tpu.memory_space<vmem>> -> memref<16x128xi32, #tpu.memory_space<vmem>>
      tpu.wait_dma2 semaphore(%run_scoped3A : memref<!tpu.dma_semaphore, #tpu.memory_space<semaphore_mem>>) src(%dma_wait3A_43 : memref<16x128xi32, #tpu.memory_space<vmem>>) dst(%dma_wait3A_40 : memref<16x128xi32, #tpu.memory_space<hbm>>)
      tpu.yield
    }) : () -> ()
    return
  }
}

#map = affine_map<(d0, d1) -> (0, 0)>
#map1 = affine_map<(d0, d1) -> (0)>
#map2 = affine_map<(d0, d1) -> (0, 0, 0)>
module attributes {stable_mosaic.version = 14 : i64} {
  func.func @_scatter_body(%arg0: i32, %arg1: i32, %arg2: memref<320000x128xf32, #tpu.memory_space<hbm>>, %arg3: memref<320000xi32, #tpu.memory_space<hbm>>, %arg4: memref<10000x128xf32, #tpu.memory_space<hbm>>, %arg5: memref<2x10000x128xf32, #tpu.memory_space<hbm>>, %arg6: memref<128xi32, #tpu.memory_space<vmem>>, %arg7: memref<128xi32, #tpu.memory_space<vmem>>, %arg8: memref<128x128xf32, #tpu.memory_space<vmem>>, %arg9: memref<128x128xf32, #tpu.memory_space<vmem>>, %arg10: memref<10000x128xf32, #tpu.memory_space<vmem_shared>>, %arg11: memref<!tpu.dma_semaphore, #tpu.memory_space<semaphore_mem>>, %arg12: memref<!tpu.dma_semaphore, #tpu.memory_space<semaphore_mem>>) attributes {dimension_semantics = [#tpu.dimension_semantics<core_parallel>, #tpu.dimension_semantics<subcore_parallel>], iteration_bounds = array<i64: 2, 16>, scalar_prefetch = 0 : i64, scratch_operands = 7 : i64, tpu.core_type = #tpu.core_type<sc_vector_subcore>, window_params = [{transform_indices = #map}, {transform_indices = #map1}, {transform_indices = #map}, {transform_indices = #map2}]} {
    %lt3A = arith.constant 15 : i32
    %lt3A_0 = arith.cmpi slt, %arg1, %lt3A : i32
    %convert_element_type3A = arith.extui %lt3A_0 : i1 to i32
    %cond3A = arith.constant 0 : i32
    %cond3A_1 = arith.cmpi ne, %convert_element_type3A, %cond3A : i32
    scf.if %cond3A_1 {
      %mul3A_35 = arith.constant 640 : i32
      %mul3A_36 = arith.muli %arg1, %mul3A_35 : i32
      %mul3A_37 = arith.constant 640 : i32
      %mul3A_38 = arith.muli %arg1, %mul3A_37 : i32
      "tpu.region"() ({
        %run_scoped3A = tpu.sem_alloc : memref<!tpu.dma_semaphore, #tpu.memory_space<semaphore_mem>>
        %dma_start3A_39 = arith.constant 0 : i32
        %dma_start3A_40 = tpu.memref_slice %arg10[%mul3A_38, %dma_start3A_39] : memref<10000x128xf32, #tpu.memory_space<vmem_shared>> -> memref<640x128xf32, #tpu.memory_space<vmem_shared>>
        %dma_start3A_41 = arith.constant 0 : i32
        %dma_start3A_42 = tpu.memref_slice %arg4[%mul3A_36, %dma_start3A_41] : memref<10000x128xf32, #tpu.memory_space<hbm>> -> memref<640x128xf32, #tpu.memory_space<hbm>>
        tpu.enqueue_dma source(%dma_start3A_42 : memref<640x128xf32, #tpu.memory_space<hbm>>) target(%dma_start3A_40 : memref<640x128xf32, #tpu.memory_space<vmem_shared>>) target_semaphore(%run_scoped3A : memref<!tpu.dma_semaphore, #tpu.memory_space<semaphore_mem>>)
        %dma_wait3A = arith.constant 0 : i32
        %dma_wait3A_43 = tpu.memref_slice %arg10[%mul3A_38, %dma_wait3A] : memref<10000x128xf32, #tpu.memory_space<vmem_shared>> -> memref<640x128xf32, #tpu.memory_space<vmem_shared>>
        %dma_wait3A_44 = arith.constant 0 : i32
        %dma_wait3A_45 = tpu.memref_slice %arg4[%mul3A_36, %dma_wait3A_44] : memref<10000x128xf32, #tpu.memory_space<hbm>> -> memref<640x128xf32, #tpu.memory_space<hbm>>
        tpu.wait_dma2 semaphore(%run_scoped3A : memref<!tpu.dma_semaphore, #tpu.memory_space<semaphore_mem>>) src(%dma_wait3A_45 : memref<640x128xf32, #tpu.memory_space<hbm>>) dst(%dma_wait3A_43 : memref<640x128xf32, #tpu.memory_space<vmem_shared>>)
        tpu.yield
      }) : () -> ()
    } else {
    }
    %eq3A = arith.constant 15 : i32
    %eq3A_2 = arith.cmpi eq, %arg1, %eq3A : i32
    %convert_element_type3A_3 = arith.extui %eq3A_2 : i1 to i32
    %cond3A_4 = arith.constant 0 : i32
    %cond3A_5 = arith.cmpi ne, %convert_element_type3A_3, %cond3A_4 : i32
    scf.if %cond3A_5 {
      "tpu.region"() ({
        %run_scoped3A = tpu.sem_alloc : memref<!tpu.dma_semaphore, #tpu.memory_space<semaphore_mem>>
        %dma_start3A_35 = arith.constant 9600 : i32
        %dma_start3A_36 = arith.constant 0 : i32
        %dma_start3A_37 = tpu.memref_slice %arg10[%dma_start3A_35, %dma_start3A_36] : memref<10000x128xf32, #tpu.memory_space<vmem_shared>> -> memref<400x128xf32, #tpu.memory_space<vmem_shared>>
        %dma_start3A_38 = arith.constant 9600 : i32
        %dma_start3A_39 = arith.constant 0 : i32
        %dma_start3A_40 = tpu.memref_slice %arg4[%dma_start3A_38, %dma_start3A_39] : memref<10000x128xf32, #tpu.memory_space<hbm>> -> memref<400x128xf32, #tpu.memory_space<hbm>>
        tpu.enqueue_dma source(%dma_start3A_40 : memref<400x128xf32, #tpu.memory_space<hbm>>) target(%dma_start3A_37 : memref<400x128xf32, #tpu.memory_space<vmem_shared>>) target_semaphore(%run_scoped3A : memref<!tpu.dma_semaphore, #tpu.memory_space<semaphore_mem>>)
        %dma_wait3A = arith.constant 9600 : i32
        %dma_wait3A_41 = arith.constant 0 : i32
        %dma_wait3A_42 = tpu.memref_slice %arg10[%dma_wait3A, %dma_wait3A_41] : memref<10000x128xf32, #tpu.memory_space<vmem_shared>> -> memref<400x128xf32, #tpu.memory_space<vmem_shared>>
        %dma_wait3A_43 = arith.constant 9600 : i32
        %dma_wait3A_44 = arith.constant 0 : i32
        %dma_wait3A_45 = tpu.memref_slice %arg4[%dma_wait3A_43, %dma_wait3A_44] : memref<10000x128xf32, #tpu.memory_space<hbm>> -> memref<400x128xf32, #tpu.memory_space<hbm>>
        tpu.wait_dma2 semaphore(%run_scoped3A : memref<!tpu.dma_semaphore, #tpu.memory_space<semaphore_mem>>) src(%dma_wait3A_45 : memref<400x128xf32, #tpu.memory_space<hbm>>) dst(%dma_wait3A_42 : memref<400x128xf32, #tpu.memory_space<vmem_shared>>)
        tpu.yield
      }) : () -> ()
    } else {
    }
    %barrier3A = arith.constant 0 : index
    tpu.barrier barrier_id(%barrier3A)
    %mul3A = arith.constant 16 : i32
    %mul3A_6 = arith.muli %arg0, %mul3A : i32
    %add3A = arith.addi %mul3A_6, %arg1 : i32
    %mul3A_7 = arith.constant 10000 : i32
    %mul3A_8 = arith.muli %add3A, %mul3A_7 : i32
    %add3A_9 = arith.constant 0 : i32
    %add3A_10 = arith.addi %mul3A_8, %add3A_9 : i32
    %multiple_of3A = tpu.assume_multiple %add3A_10, 8 : i32
    %dma_start3A = tpu.memref_slice %arg3[%multiple_of3A] : memref<320000xi32, #tpu.memory_space<hbm>> -> memref<128xi32, #tpu.memory_space<hbm>>
    %dma_start3A_11 = tpu.memref_slice %arg3[%multiple_of3A] : memref<320000xi32, #tpu.memory_space<hbm>> -> memref<128xi32, #tpu.memory_space<hbm>>
    tpu.enqueue_dma source(%dma_start3A_11 : memref<128xi32, #tpu.memory_space<hbm>>) target(%arg6 : memref<128xi32, #tpu.memory_space<vmem>>) target_semaphore(%arg11 : memref<!tpu.dma_semaphore, #tpu.memory_space<semaphore_mem>>)
    %dma_start3A_12 = arith.constant 0 : i32
    %dma_start3A_13 = tpu.memref_slice %arg2[%multiple_of3A, %dma_start3A_12] : memref<320000x128xf32, #tpu.memory_space<hbm>> -> memref<128x128xf32, #tpu.memory_space<hbm>>
    %dma_start3A_14 = arith.constant 0 : i32
    %dma_start3A_15 = tpu.memref_slice %arg2[%multiple_of3A, %dma_start3A_14] : memref<320000x128xf32, #tpu.memory_space<hbm>> -> memref<128x128xf32, #tpu.memory_space<hbm>>
    tpu.enqueue_dma source(%dma_start3A_15 : memref<128x128xf32, #tpu.memory_space<hbm>>) target(%arg8 : memref<128x128xf32, #tpu.memory_space<vmem>>) target_semaphore(%arg11 : memref<!tpu.dma_semaphore, #tpu.memory_space<semaphore_mem>>)
    %scan3A = arith.constant 0 : i32
    %scan3A_16 = arith.constant 0 : i32
    %scan3A_17 = arith.constant 39 : i32
    %scan3A_18 = arith.addi %scan3A_16, %scan3A_17 : i32
    %scan3A_19 = arith.constant 1 : i32
    scf.for %scan3A_35 = %scan3A_16 to %scan3A_18 step %scan3A_19  : i32 {
      %mul3A_36 = arith.constant 2 : i32
      %mul3A_37 = arith.muli %mul3A_36, %scan3A_35 : i32
      %mul3A_38 = arith.constant 2 : i32
      %mul3A_39 = arith.muli %mul3A_38, %scan3A_35 : i32
      %add3A_40 = arith.constant 1 : i32
      %add3A_41 = arith.addi %mul3A_39, %add3A_40 : i32
      %mul3A_42 = arith.constant 128 : i32
      %mul3A_43 = arith.muli %add3A_41, %mul3A_42 : i32
      %add3A_44 = arith.addi %mul3A_8, %mul3A_43 : i32
      %multiple_of3A_45 = tpu.assume_multiple %add3A_44, 8 : i32
      %dma_start3A_46 = tpu.memref_slice %arg3[%multiple_of3A_45] : memref<320000xi32, #tpu.memory_space<hbm>> -> memref<128xi32, #tpu.memory_space<hbm>>
      %dma_start3A_47 = tpu.memref_slice %arg3[%multiple_of3A_45] : memref<320000xi32, #tpu.memory_space<hbm>> -> memref<128xi32, #tpu.memory_space<hbm>>
      tpu.enqueue_dma source(%dma_start3A_47 : memref<128xi32, #tpu.memory_space<hbm>>) target(%arg7 : memref<128xi32, #tpu.memory_space<vmem>>) target_semaphore(%arg12 : memref<!tpu.dma_semaphore, #tpu.memory_space<semaphore_mem>>)
      %dma_start3A_48 = arith.constant 0 : i32
      %dma_start3A_49 = tpu.memref_slice %arg2[%multiple_of3A_45, %dma_start3A_48] : memref<320000x128xf32, #tpu.memory_space<hbm>> -> memref<128x128xf32, #tpu.memory_space<hbm>>
      %dma_start3A_50 = arith.constant 0 : i32
      %dma_start3A_51 = tpu.memref_slice %arg2[%multiple_of3A_45, %dma_start3A_50] : memref<320000x128xf32, #tpu.memory_space<hbm>> -> memref<128x128xf32, #tpu.memory_space<hbm>>
      tpu.enqueue_dma source(%dma_start3A_51 : memref<128x128xf32, #tpu.memory_space<hbm>>) target(%arg9 : memref<128x128xf32, #tpu.memory_space<vmem>>) target_semaphore(%arg12 : memref<!tpu.dma_semaphore, #tpu.memory_space<semaphore_mem>>)
      %dma_wait3A = arith.constant 0 : i32
      %dma_wait3A_52 = tpu.memref_slice %arg3[%dma_wait3A] : memref<320000xi32, #tpu.memory_space<hbm>> -> memref<128xi32, #tpu.memory_space<hbm>>
      %dma_wait3A_53 = arith.constant 0 : i32
      %dma_wait3A_54 = tpu.memref_slice %arg3[%dma_wait3A_53] : memref<320000xi32, #tpu.memory_space<hbm>> -> memref<128xi32, #tpu.memory_space<hbm>>
      tpu.wait_dma2 semaphore(%arg11 : memref<!tpu.dma_semaphore, #tpu.memory_space<semaphore_mem>>) src(%dma_wait3A_54 : memref<128xi32, #tpu.memory_space<hbm>>) dst(%arg6 : memref<128xi32, #tpu.memory_space<vmem>>)
      %dma_wait3A_55 = arith.constant 0 : i32
      %dma_wait3A_56 = arith.constant 0 : i32
      %dma_wait3A_57 = tpu.memref_slice %arg2[%dma_wait3A_55, %dma_wait3A_56] : memref<320000x128xf32, #tpu.memory_space<hbm>> -> memref<128x128xf32, #tpu.memory_space<hbm>>
      %dma_wait3A_58 = arith.constant 0 : i32
      %dma_wait3A_59 = arith.constant 0 : i32
      %dma_wait3A_60 = tpu.memref_slice %arg2[%dma_wait3A_58, %dma_wait3A_59] : memref<320000x128xf32, #tpu.memory_space<hbm>> -> memref<128x128xf32, #tpu.memory_space<hbm>>
      tpu.wait_dma2 semaphore(%arg11 : memref<!tpu.dma_semaphore, #tpu.memory_space<semaphore_mem>>) src(%dma_wait3A_60 : memref<128x128xf32, #tpu.memory_space<hbm>>) dst(%arg8 : memref<128x128xf32, #tpu.memory_space<vmem>>)
      "tpu.region"() ({
        %run_scoped3A = tpu.sem_alloc : memref<!tpu.dma_semaphore, #tpu.memory_space<semaphore_mem>>
        %dma_start3A_78 = arith.constant 0 : i32
        %dma_start3A_79 = arith.constant 0 : i32
        %dma_start3A_80 = tpu.memref_slice %arg10[%dma_start3A_78, %dma_start3A_79] : memref<10000x128xf32, #tpu.memory_space<vmem_shared>> -> memref<10000x128xf32, #tpu.memory_space<vmem_shared>>
        tpu.enqueue_indirect_dma source(%arg8 : memref<128x128xf32, #tpu.memory_space<vmem>>) target(%dma_start3A_80 : memref<10000x128xf32, #tpu.memory_space<vmem_shared>>) offsets(%arg6 : memref<128xi32, #tpu.memory_space<vmem>>) semaphore(%run_scoped3A : memref<!tpu.dma_semaphore, #tpu.memory_space<semaphore_mem>>) {add = true}
        %dma_wait3A_81 = arith.constant 0 : i32
        %dma_wait3A_82 = arith.constant 0 : i32
        %dma_wait3A_83 = tpu.memref_slice %arg10[%dma_wait3A_81, %dma_wait3A_82] : memref<10000x128xf32, #tpu.memory_space<vmem_shared>> -> memref<10000x128xf32, #tpu.memory_space<vmem_shared>>
        tpu.wait_indirect_dma semaphore(%run_scoped3A : memref<!tpu.dma_semaphore, #tpu.memory_space<semaphore_mem>>) src(%arg8 : memref<128x128xf32, #tpu.memory_space<vmem>>) dst(%dma_wait3A_83 : memref<10000x128xf32, #tpu.memory_space<vmem_shared>>)
        tpu.yield
      }) : () -> ()
      %add3A_61 = arith.constant 2 : i32
      %add3A_62 = arith.addi %mul3A_37, %add3A_61 : i32
      %lt3A_63 = arith.constant 78 : i32
      %lt3A_64 = arith.cmpi slt, %add3A_62, %lt3A_63 : i32
      %convert_element_type3A_65 = arith.extui %lt3A_64 : i1 to i32
      %cond3A_66 = arith.constant 0 : i32
      %cond3A_67 = arith.cmpi ne, %convert_element_type3A_65, %cond3A_66 : i32
      scf.if %cond3A_67 {
        %add3A_78 = arith.constant 2 : i32
        %add3A_79 = arith.addi %mul3A_37, %add3A_78 : i32
        %mul3A_80 = arith.constant 128 : i32
        %mul3A_81 = arith.muli %add3A_79, %mul3A_80 : i32
        %add3A_82 = arith.addi %mul3A_8, %mul3A_81 : i32
        %multiple_of3A_83 = tpu.assume_multiple %add3A_82, 8 : i32
        %dma_start3A_84 = tpu.memref_slice %arg3[%multiple_of3A_83] : memref<320000xi32, #tpu.memory_space<hbm>> -> memref<128xi32, #tpu.memory_space<hbm>>
        %dma_start3A_85 = tpu.memref_slice %arg3[%multiple_of3A_83] : memref<320000xi32, #tpu.memory_space<hbm>> -> memref<128xi32, #tpu.memory_space<hbm>>
        tpu.enqueue_dma source(%dma_start3A_85 : memref<128xi32, #tpu.memory_space<hbm>>) target(%arg6 : memref<128xi32, #tpu.memory_space<vmem>>) target_semaphore(%arg11 : memref<!tpu.dma_semaphore, #tpu.memory_space<semaphore_mem>>)
        %dma_start3A_86 = arith.constant 0 : i32
        %dma_start3A_87 = tpu.memref_slice %arg2[%multiple_of3A_83, %dma_start3A_86] : memref<320000x128xf32, #tpu.memory_space<hbm>> -> memref<128x128xf32, #tpu.memory_space<hbm>>
        %dma_start3A_88 = arith.constant 0 : i32
        %dma_start3A_89 = tpu.memref_slice %arg2[%multiple_of3A_83, %dma_start3A_88] : memref<320000x128xf32, #tpu.memory_space<hbm>> -> memref<128x128xf32, #tpu.memory_space<hbm>>
        tpu.enqueue_dma source(%dma_start3A_89 : memref<128x128xf32, #tpu.memory_space<hbm>>) target(%arg8 : memref<128x128xf32, #tpu.memory_space<vmem>>) target_semaphore(%arg11 : memref<!tpu.dma_semaphore, #tpu.memory_space<semaphore_mem>>)
      } else {
      }
      %dma_wait3A_68 = arith.constant 0 : i32
      %dma_wait3A_69 = tpu.memref_slice %arg3[%dma_wait3A_68] : memref<320000xi32, #tpu.memory_space<hbm>> -> memref<128xi32, #tpu.memory_space<hbm>>
      %dma_wait3A_70 = arith.constant 0 : i32
      %dma_wait3A_71 = tpu.memref_slice %arg3[%dma_wait3A_70] : memref<320000xi32, #tpu.memory_space<hbm>> -> memref<128xi32, #tpu.memory_space<hbm>>
      tpu.wait_dma2 semaphore(%arg12 : memref<!tpu.dma_semaphore, #tpu.memory_space<semaphore_mem>>) src(%dma_wait3A_71 : memref<128xi32, #tpu.memory_space<hbm>>) dst(%arg7 : memref<128xi32, #tpu.memory_space<vmem>>)
      %dma_wait3A_72 = arith.constant 0 : i32
      %dma_wait3A_73 = arith.constant 0 : i32
      %dma_wait3A_74 = tpu.memref_slice %arg2[%dma_wait3A_72, %dma_wait3A_73] : memref<320000x128xf32, #tpu.memory_space<hbm>> -> memref<128x128xf32, #tpu.memory_space<hbm>>
      %dma_wait3A_75 = arith.constant 0 : i32
      %dma_wait3A_76 = arith.constant 0 : i32
      %dma_wait3A_77 = tpu.memref_slice %arg2[%dma_wait3A_75, %dma_wait3A_76] : memref<320000x128xf32, #tpu.memory_space<hbm>> -> memref<128x128xf32, #tpu.memory_space<hbm>>
      tpu.wait_dma2 semaphore(%arg12 : memref<!tpu.dma_semaphore, #tpu.memory_space<semaphore_mem>>) src(%dma_wait3A_77 : memref<128x128xf32, #tpu.memory_space<hbm>>) dst(%arg9 : memref<128x128xf32, #tpu.memory_space<vmem>>)
      "tpu.region"() ({
        %run_scoped3A = tpu.sem_alloc : memref<!tpu.dma_semaphore, #tpu.memory_space<semaphore_mem>>
        %dma_start3A_78 = arith.constant 0 : i32
        %dma_start3A_79 = arith.constant 0 : i32
        %dma_start3A_80 = tpu.memref_slice %arg10[%dma_start3A_78, %dma_start3A_79] : memref<10000x128xf32, #tpu.memory_space<vmem_shared>> -> memref<10000x128xf32, #tpu.memory_space<vmem_shared>>
        tpu.enqueue_indirect_dma source(%arg9 : memref<128x128xf32, #tpu.memory_space<vmem>>) target(%dma_start3A_80 : memref<10000x128xf32, #tpu.memory_space<vmem_shared>>) offsets(%arg7 : memref<128xi32, #tpu.memory_space<vmem>>) semaphore(%run_scoped3A : memref<!tpu.dma_semaphore, #tpu.memory_space<semaphore_mem>>) {add = true}
        %dma_wait3A_81 = arith.constant 0 : i32
        %dma_wait3A_82 = arith.constant 0 : i32
        %dma_wait3A_83 = tpu.memref_slice %arg10[%dma_wait3A_81, %dma_wait3A_82] : memref<10000x128xf32, #tpu.memory_space<vmem_shared>> -> memref<10000x128xf32, #tpu.memory_space<vmem_shared>>
        tpu.wait_indirect_dma semaphore(%run_scoped3A : memref<!tpu.dma_semaphore, #tpu.memory_space<semaphore_mem>>) src(%arg9 : memref<128x128xf32, #tpu.memory_space<vmem>>) dst(%dma_wait3A_83 : memref<10000x128xf32, #tpu.memory_space<vmem_shared>>)
        tpu.yield
      }) : () -> ()
    }
    %scan3A_20 = arith.constant 39 : i32
    %add3A_21 = arith.constant 9984 : i32
    %add3A_22 = arith.addi %mul3A_8, %add3A_21 : i32
    %multiple_of3A_23 = tpu.assume_multiple %add3A_22, 8 : i32
    "tpu.region"() ({
      %run_scoped3A = tpu.sem_alloc : memref<!tpu.dma_semaphore, #tpu.memory_space<semaphore_mem>>
      %dma_start3A_35 = arith.constant 0 : i32
      %dma_start3A_36 = tpu.memref_slice %arg6[%dma_start3A_35] : memref<128xi32, #tpu.memory_space<vmem>> -> memref<16xi32, #tpu.memory_space<vmem>>
      %dma_start3A_37 = tpu.memref_slice %arg3[%multiple_of3A_23] : memref<320000xi32, #tpu.memory_space<hbm>> -> memref<16xi32, #tpu.memory_space<hbm>>
      %dma_start3A_38 = arith.constant 0 : i32
      %dma_start3A_39 = tpu.memref_slice %arg6[%dma_start3A_38] : memref<128xi32, #tpu.memory_space<vmem>> -> memref<16xi32, #tpu.memory_space<vmem>>
      %dma_start3A_40 = tpu.memref_slice %arg3[%multiple_of3A_23] : memref<320000xi32, #tpu.memory_space<hbm>> -> memref<16xi32, #tpu.memory_space<hbm>>
      tpu.enqueue_dma source(%dma_start3A_40 : memref<16xi32, #tpu.memory_space<hbm>>) target(%dma_start3A_39 : memref<16xi32, #tpu.memory_space<vmem>>) target_semaphore(%run_scoped3A : memref<!tpu.dma_semaphore, #tpu.memory_space<semaphore_mem>>)
      %dma_wait3A = arith.constant 0 : i32
      %dma_wait3A_41 = tpu.memref_slice %arg6[%dma_wait3A] : memref<128xi32, #tpu.memory_space<vmem>> -> memref<16xi32, #tpu.memory_space<vmem>>
      %dma_wait3A_42 = tpu.memref_slice %arg3[%multiple_of3A_23] : memref<320000xi32, #tpu.memory_space<hbm>> -> memref<16xi32, #tpu.memory_space<hbm>>
      %dma_wait3A_43 = arith.constant 0 : i32
      %dma_wait3A_44 = tpu.memref_slice %arg6[%dma_wait3A_43] : memref<128xi32, #tpu.memory_space<vmem>> -> memref<16xi32, #tpu.memory_space<vmem>>
      %dma_wait3A_45 = tpu.memref_slice %arg3[%multiple_of3A_23] : memref<320000xi32, #tpu.memory_space<hbm>> -> memref<16xi32, #tpu.memory_space<hbm>>
      tpu.wait_dma2 semaphore(%run_scoped3A : memref<!tpu.dma_semaphore, #tpu.memory_space<semaphore_mem>>) src(%dma_wait3A_45 : memref<16xi32, #tpu.memory_space<hbm>>) dst(%dma_wait3A_44 : memref<16xi32, #tpu.memory_space<vmem>>)
      tpu.yield
    }) : () -> ()
    "tpu.region"() ({
      %run_scoped3A = tpu.sem_alloc : memref<!tpu.dma_semaphore, #tpu.memory_space<semaphore_mem>>
      %dma_start3A_35 = arith.constant 0 : i32
      %dma_start3A_36 = arith.constant 0 : i32
      %dma_start3A_37 = tpu.memref_slice %arg8[%dma_start3A_35, %dma_start3A_36] : memref<128x128xf32, #tpu.memory_space<vmem>> -> memref<16x128xf32, #tpu.memory_space<vmem>>
      %dma_start3A_38 = arith.constant 0 : i32
      %dma_start3A_39 = tpu.memref_slice %arg2[%multiple_of3A_23, %dma_start3A_38] : memref<320000x128xf32, #tpu.memory_space<hbm>> -> memref<16x128xf32, #tpu.memory_space<hbm>>
      %dma_start3A_40 = arith.constant 0 : i32
      %dma_start3A_41 = arith.constant 0 : i32
      %dma_start3A_42 = tpu.memref_slice %arg8[%dma_start3A_40, %dma_start3A_41] : memref<128x128xf32, #tpu.memory_space<vmem>> -> memref<16x128xf32, #tpu.memory_space<vmem>>
      %dma_start3A_43 = arith.constant 0 : i32
      %dma_start3A_44 = tpu.memref_slice %arg2[%multiple_of3A_23, %dma_start3A_43] : memref<320000x128xf32, #tpu.memory_space<hbm>> -> memref<16x128xf32, #tpu.memory_space<hbm>>
      tpu.enqueue_dma source(%dma_start3A_44 : memref<16x128xf32, #tpu.memory_space<hbm>>) target(%dma_start3A_42 : memref<16x128xf32, #tpu.memory_space<vmem>>) target_semaphore(%run_scoped3A : memref<!tpu.dma_semaphore, #tpu.memory_space<semaphore_mem>>)
      %dma_wait3A = arith.constant 0 : i32
      %dma_wait3A_45 = arith.constant 0 : i32
      %dma_wait3A_46 = tpu.memref_slice %arg8[%dma_wait3A, %dma_wait3A_45] : memref<128x128xf32, #tpu.memory_space<vmem>> -> memref<16x128xf32, #tpu.memory_space<vmem>>
      %dma_wait3A_47 = arith.constant 0 : i32
      %dma_wait3A_48 = tpu.memref_slice %arg2[%multiple_of3A_23, %dma_wait3A_47] : memref<320000x128xf32, #tpu.memory_space<hbm>> -> memref<16x128xf32, #tpu.memory_space<hbm>>
      %dma_wait3A_49 = arith.constant 0 : i32
      %dma_wait3A_50 = arith.constant 0 : i32
      %dma_wait3A_51 = tpu.memref_slice %arg8[%dma_wait3A_49, %dma_wait3A_50] : memref<128x128xf32, #tpu.memory_space<vmem>> -> memref<16x128xf32, #tpu.memory_space<vmem>>
      %dma_wait3A_52 = arith.constant 0 : i32
      %dma_wait3A_53 = tpu.memref_slice %arg2[%multiple_of3A_23, %dma_wait3A_52] : memref<320000x128xf32, #tpu.memory_space<hbm>> -> memref<16x128xf32, #tpu.memory_space<hbm>>
      tpu.wait_dma2 semaphore(%run_scoped3A : memref<!tpu.dma_semaphore, #tpu.memory_space<semaphore_mem>>) src(%dma_wait3A_53 : memref<16x128xf32, #tpu.memory_space<hbm>>) dst(%dma_wait3A_51 : memref<16x128xf32, #tpu.memory_space<vmem>>)
      tpu.yield
    }) : () -> ()
    "tpu.region"() ({
      %run_scoped3A = tpu.sem_alloc : memref<!tpu.dma_semaphore, #tpu.memory_space<semaphore_mem>>
      %dma_start3A_35 = arith.constant 0 : i32
      %dma_start3A_36 = arith.constant 0 : i32
      %dma_start3A_37 = tpu.memref_slice %arg8[%dma_start3A_35, %dma_start3A_36] : memref<128x128xf32, #tpu.memory_space<vmem>> -> memref<16x128xf32, #tpu.memory_space<vmem>>
      %dma_start3A_38 = arith.constant 0 : i32
      %dma_start3A_39 = tpu.memref_slice %arg6[%dma_start3A_38] : memref<128xi32, #tpu.memory_space<vmem>> -> memref<16xi32, #tpu.memory_space<vmem>>
      %dma_start3A_40 = arith.constant 0 : i32
      %dma_start3A_41 = arith.constant 0 : i32
      %dma_start3A_42 = tpu.memref_slice %arg10[%dma_start3A_40, %dma_start3A_41] : memref<10000x128xf32, #tpu.memory_space<vmem_shared>> -> memref<10000x128xf32, #tpu.memory_space<vmem_shared>>
      tpu.enqueue_indirect_dma source(%dma_start3A_37 : memref<16x128xf32, #tpu.memory_space<vmem>>) target(%dma_start3A_42 : memref<10000x128xf32, #tpu.memory_space<vmem_shared>>) offsets(%dma_start3A_39 : memref<16xi32, #tpu.memory_space<vmem>>) semaphore(%run_scoped3A : memref<!tpu.dma_semaphore, #tpu.memory_space<semaphore_mem>>) {add = true}
      %dma_wait3A = arith.constant 0 : i32
      %dma_wait3A_43 = arith.constant 0 : i32
      %dma_wait3A_44 = tpu.memref_slice %arg8[%dma_wait3A, %dma_wait3A_43] : memref<128x128xf32, #tpu.memory_space<vmem>> -> memref<16x128xf32, #tpu.memory_space<vmem>>
      %dma_wait3A_45 = arith.constant 0 : i32
      %dma_wait3A_46 = tpu.memref_slice %arg6[%dma_wait3A_45] : memref<128xi32, #tpu.memory_space<vmem>> -> memref<16xi32, #tpu.memory_space<vmem>>
      %dma_wait3A_47 = arith.constant 0 : i32
      %dma_wait3A_48 = arith.constant 0 : i32
      %dma_wait3A_49 = tpu.memref_slice %arg10[%dma_wait3A_47, %dma_wait3A_48] : memref<10000x128xf32, #tpu.memory_space<vmem_shared>> -> memref<10000x128xf32, #tpu.memory_space<vmem_shared>>
      tpu.wait_indirect_dma semaphore(%run_scoped3A : memref<!tpu.dma_semaphore, #tpu.memory_space<semaphore_mem>>) src(%dma_wait3A_44 : memref<16x128xf32, #tpu.memory_space<vmem>>) dst(%dma_wait3A_49 : memref<10000x128xf32, #tpu.memory_space<vmem_shared>>)
      tpu.yield
    }) : () -> ()
    %barrier3A_24 = arith.constant 0 : index
    tpu.barrier barrier_id(%barrier3A_24)
    %lt3A_25 = arith.constant 15 : i32
    %lt3A_26 = arith.cmpi slt, %arg1, %lt3A_25 : i32
    %convert_element_type3A_27 = arith.extui %lt3A_26 : i1 to i32
    %cond3A_28 = arith.constant 0 : i32
    %cond3A_29 = arith.cmpi ne, %convert_element_type3A_27, %cond3A_28 : i32
    scf.if %cond3A_29 {
      %mul3A_35 = arith.constant 640 : i32
      %mul3A_36 = arith.muli %arg1, %mul3A_35 : i32
      %mul3A_37 = arith.constant 640 : i32
      %mul3A_38 = arith.muli %arg1, %mul3A_37 : i32
      "tpu.region"() ({
        %run_scoped3A = tpu.sem_alloc : memref<!tpu.dma_semaphore, #tpu.memory_space<semaphore_mem>>
        %dma_start3A_39 = arith.constant 0 : i32
        %dma_start3A_40 = arith.constant 0 : i32
        %dma_start3A_41 = tpu.memref_slice %arg5[%arg0, %dma_start3A_39, %dma_start3A_40] : memref<2x10000x128xf32, #tpu.memory_space<hbm>> -> memref<1x10000x128xf32, #tpu.memory_space<hbm>>
        %dma_start3A_42 = tpu.memref_squeeze %dma_start3A_41 : memref<1x10000x128xf32, #tpu.memory_space<hbm>> -> memref<10000x128xf32, #tpu.memory_space<hbm>>
        %dma_start3A_43 = arith.constant 0 : i32
        %dma_start3A_44 = tpu.memref_slice %dma_start3A_42[%mul3A_38, %dma_start3A_43] : memref<10000x128xf32, #tpu.memory_space<hbm>> -> memref<640x128xf32, #tpu.memory_space<hbm>>
        %dma_start3A_45 = arith.constant 0 : i32
        %dma_start3A_46 = tpu.memref_slice %arg10[%mul3A_36, %dma_start3A_45] : memref<10000x128xf32, #tpu.memory_space<vmem_shared>> -> memref<640x128xf32, #tpu.memory_space<vmem_shared>>
        tpu.enqueue_dma source(%dma_start3A_46 : memref<640x128xf32, #tpu.memory_space<vmem_shared>>) target(%dma_start3A_44 : memref<640x128xf32, #tpu.memory_space<hbm>>) target_semaphore(%run_scoped3A : memref<!tpu.dma_semaphore, #tpu.memory_space<semaphore_mem>>)
        %dma_wait3A = arith.constant 0 : i32
        %dma_wait3A_47 = arith.constant 0 : i32
        %dma_wait3A_48 = tpu.memref_slice %arg5[%arg0, %dma_wait3A, %dma_wait3A_47] : memref<2x10000x128xf32, #tpu.memory_space<hbm>> -> memref<1x10000x128xf32, #tpu.memory_space<hbm>>
        %dma_wait3A_49 = tpu.memref_squeeze %dma_wait3A_48 : memref<1x10000x128xf32, #tpu.memory_space<hbm>> -> memref<10000x128xf32, #tpu.memory_space<hbm>>
        %dma_wait3A_50 = arith.constant 0 : i32
        %dma_wait3A_51 = tpu.memref_slice %dma_wait3A_49[%mul3A_38, %dma_wait3A_50] : memref<10000x128xf32, #tpu.memory_space<hbm>> -> memref<640x128xf32, #tpu.memory_space<hbm>>
        %dma_wait3A_52 = arith.constant 0 : i32
        %dma_wait3A_53 = tpu.memref_slice %arg10[%mul3A_36, %dma_wait3A_52] : memref<10000x128xf32, #tpu.memory_space<vmem_shared>> -> memref<640x128xf32, #tpu.memory_space<vmem_shared>>
        tpu.wait_dma2 semaphore(%run_scoped3A : memref<!tpu.dma_semaphore, #tpu.memory_space<semaphore_mem>>) src(%dma_wait3A_53 : memref<640x128xf32, #tpu.memory_space<vmem_shared>>) dst(%dma_wait3A_51 : memref<640x128xf32, #tpu.memory_space<hbm>>)
        tpu.yield
      }) : () -> ()
    } else {
    }
    %eq3A_30 = arith.constant 15 : i32
    %eq3A_31 = arith.cmpi eq, %arg1, %eq3A_30 : i32
    %convert_element_type3A_32 = arith.extui %eq3A_31 : i1 to i32
    %cond3A_33 = arith.constant 0 : i32
    %cond3A_34 = arith.cmpi ne, %convert_element_type3A_32, %cond3A_33 : i32
    scf.if %cond3A_34 {
      "tpu.region"() ({
        %run_scoped3A = tpu.sem_alloc : memref<!tpu.dma_semaphore, #tpu.memory_space<semaphore_mem>>
        %dma_start3A_35 = arith.constant 0 : i32
        %dma_start3A_36 = arith.constant 0 : i32
        %dma_start3A_37 = tpu.memref_slice %arg5[%arg0, %dma_start3A_35, %dma_start3A_36] : memref<2x10000x128xf32, #tpu.memory_space<hbm>> -> memref<1x10000x128xf32, #tpu.memory_space<hbm>>
        %dma_start3A_38 = tpu.memref_squeeze %dma_start3A_37 : memref<1x10000x128xf32, #tpu.memory_space<hbm>> -> memref<10000x128xf32, #tpu.memory_space<hbm>>
        %dma_start3A_39 = arith.constant 9600 : i32
        %dma_start3A_40 = arith.constant 0 : i32
        %dma_start3A_41 = tpu.memref_slice %dma_start3A_38[%dma_start3A_39, %dma_start3A_40] : memref<10000x128xf32, #tpu.memory_space<hbm>> -> memref<400x128xf32, #tpu.memory_space<hbm>>
        %dma_start3A_42 = arith.constant 9600 : i32
        %dma_start3A_43 = arith.constant 0 : i32
        %dma_start3A_44 = tpu.memref_slice %arg10[%dma_start3A_42, %dma_start3A_43] : memref<10000x128xf32, #tpu.memory_space<vmem_shared>> -> memref<400x128xf32, #tpu.memory_space<vmem_shared>>
        tpu.enqueue_dma source(%dma_start3A_44 : memref<400x128xf32, #tpu.memory_space<vmem_shared>>) target(%dma_start3A_41 : memref<400x128xf32, #tpu.memory_space<hbm>>) target_semaphore(%run_scoped3A : memref<!tpu.dma_semaphore, #tpu.memory_space<semaphore_mem>>)
        %dma_wait3A = arith.constant 0 : i32
        %dma_wait3A_45 = arith.constant 0 : i32
        %dma_wait3A_46 = tpu.memref_slice %arg5[%arg0, %dma_wait3A, %dma_wait3A_45] : memref<2x10000x128xf32, #tpu.memory_space<hbm>> -> memref<1x10000x128xf32, #tpu.memory_space<hbm>>
        %dma_wait3A_47 = tpu.memref_squeeze %dma_wait3A_46 : memref<1x10000x128xf32, #tpu.memory_space<hbm>> -> memref<10000x128xf32, #tpu.memory_space<hbm>>
        %dma_wait3A_48 = arith.constant 9600 : i32
        %dma_wait3A_49 = arith.constant 0 : i32
        %dma_wait3A_50 = tpu.memref_slice %dma_wait3A_47[%dma_wait3A_48, %dma_wait3A_49] : memref<10000x128xf32, #tpu.memory_space<hbm>> -> memref<400x128xf32, #tpu.memory_space<hbm>>
        %dma_wait3A_51 = arith.constant 9600 : i32
        %dma_wait3A_52 = arith.constant 0 : i32
        %dma_wait3A_53 = tpu.memref_slice %arg10[%dma_wait3A_51, %dma_wait3A_52] : memref<10000x128xf32, #tpu.memory_space<vmem_shared>> -> memref<400x128xf32, #tpu.memory_space<vmem_shared>>
        tpu.wait_dma2 semaphore(%run_scoped3A : memref<!tpu.dma_semaphore, #tpu.memory_space<semaphore_mem>>) src(%dma_wait3A_53 : memref<400x128xf32, #tpu.memory_space<vmem_shared>>) dst(%dma_wait3A_50 : memref<400x128xf32, #tpu.memory_space<hbm>>)
        tpu.yield
      }) : () -> ()
    } else {
    }
    return
  }
}

module attributes {stable_mosaic.version = 14 : i64} {
  func.func @_prep_body(%arg0: i32, %arg1: memref<2000x128xf32, #tpu.memory_space<vmem>>, %arg2: memref<128x256xf32, #tpu.memory_space<vmem>>, %arg3: memref<1x256xf32, #tpu.memory_space<vmem>>, %arg4: memref<1x256xf32, #tpu.memory_space<vmem>>, %arg5: memref<256x128xf32, #tpu.memory_space<vmem>>, %arg6: memref<2000x128xi32, #tpu.memory_space<vmem>>, %arg7: memref<2000x128xf32, #tpu.memory_space<vmem>>) attributes {dimension_semantics = [#tpu.dimension_semantics<arbitrary>], iteration_bounds = array<i64: 5>, scalar_prefetch = 0 : i64, scratch_operands = 0 : i64, tpu.core_type = #tpu.core_type<tc>, window_params = [{transform_indices = @transform_0, window_bounds = array<i64: 2000, 128>}, {pipeline_mode = #tpu.pipeline_mode<synchronous>, transform_indices = @transform_1, window_bounds = array<i64: 128, 256>}, {pipeline_mode = #tpu.pipeline_mode<synchronous>, transform_indices = @transform_2, window_bounds = array<i64: 1, 256>}, {pipeline_mode = #tpu.pipeline_mode<synchronous>, transform_indices = @transform_3, window_bounds = array<i64: 1, 256>}, {pipeline_mode = #tpu.pipeline_mode<synchronous>, transform_indices = @transform_4, window_bounds = array<i64: 256, 128>}, {transform_indices = @transform_5, window_bounds = array<i64: 2000, 128>}, {transform_indices = @transform_6, window_bounds = array<i64: 2000, 128>}]} {
    %get3A = arith.constant 0 : index
    %get3A_0 = arith.constant 0 : index
    %get3A_1 = vector.load %arg1[%get3A, %get3A_0] : memref<2000x128xf32, #tpu.memory_space<vmem>>, vector<2000x128xf32>
    %get3A_2 = arith.constant 0 : index
    %get3A_3 = arith.constant 0 : index
    %get3A_4 = vector.load %arg2[%get3A_2, %get3A_3] : memref<128x256xf32, #tpu.memory_space<vmem>>, vector<128x256xf32>
    %dot_general3A = arith.constant dense<0.000000e+00> : vector<2000x256xf32>
    %dot_general3A_5 = tpu.matmul %get3A_1, %get3A_4, %dot_general3A {dimension_numbers = #tpu.dot_dimension_numbers<[1], [0], [0], [1], [0, 0, 1, 1], [], []>, transpose_lhs_hint = false} : vector<2000x128xf32>, vector<128x256xf32>, vector<2000x256xf32> -> vector<2000x256xf32>
    %get3A_6 = arith.constant 0 : index
    %get3A_7 = arith.constant 0 : index
    %get3A_8 = vector.load %arg3[%get3A_6, %get3A_7] : memref<1x256xf32, #tpu.memory_space<vmem>>, vector<1x256xf32>
    %add3A = vector.broadcast %get3A_8 : vector<1x256xf32> to vector<2000x256xf32>
    %add3A_9 = arith.addf %dot_general3A_5, %add3A : vector<2000x256xf32>
    %bitcast_convert_type3A = tpu.bitcast %add3A_9 : vector<2000x256xf32> -> vector<2000x256xi32>
    %add3A_10 = arith.constant 32767 : i32
    %add3A_11 = vector.broadcast %add3A_10 : i32 to vector<2000x256xi32>
    %add3A_12 = arith.addi %bitcast_convert_type3A, %add3A_11 : vector<2000x256xi32>
    %shift_right_logical3A = arith.constant 16 : i32
    %shift_right_logical3A_13 = vector.broadcast %shift_right_logical3A : i32 to vector<2000x256xi32>
    %shift_right_logical3A_14 = arith.shrui %bitcast_convert_type3A, %shift_right_logical3A_13 : vector<2000x256xi32>
    %and3A = arith.constant 1 : i32
    %and3A_15 = vector.broadcast %and3A : i32 to vector<2000x256xi32>
    %and3A_16 = arith.andi %shift_right_logical3A_14, %and3A_15 : vector<2000x256xi32>
    %add3A_17 = arith.addi %add3A_12, %and3A_16 : vector<2000x256xi32>
    %slice3A = vector.extract_strided_slice %add3A_17 {offsets = [0, 0], sizes = [2000, 128], strides = [1, 1]} : vector<2000x256xi32> to vector<2000x128xi32>
    %shift_right_logical3A_18 = arith.constant 16 : i32
    %shift_right_logical3A_19 = vector.broadcast %shift_right_logical3A_18 : i32 to vector<2000x128xi32>
    %shift_right_logical3A_20 = arith.shrui %slice3A, %shift_right_logical3A_19 : vector<2000x128xi32>
    %slice3A_21 = vector.extract_strided_slice %add3A_17 {offsets = [0, 128], sizes = [2000, 128], strides = [1, 1]} : vector<2000x256xi32> to vector<2000x128xi32>
    %and3A_22 = arith.constant -65536 : i32
    %and3A_23 = vector.broadcast %and3A_22 : i32 to vector<2000x128xi32>
    %and3A_24 = arith.andi %slice3A_21, %and3A_23 : vector<2000x128xi32>
    %or3A = arith.ori %shift_right_logical3A_20, %and3A_24 : vector<2000x128xi32>
    %swap3A = arith.constant 0 : index
    %swap3A_25 = arith.constant 0 : index
    %swap3A_26 = vector.load %arg6[%swap3A, %swap3A_25] : memref<2000x128xi32, #tpu.memory_space<vmem>>, vector<2000x128xi32>
    tpu.vector_store %arg6[%swap3A, %swap3A_25], %or3A {strides = array<i32>} : memref<2000x128xi32, #tpu.memory_space<vmem>>, vector<2000x128xi32>,
    %get3A_27 = arith.constant 0 : index
    %get3A_28 = arith.constant 0 : index
    %get3A_29 = vector.load %arg4[%get3A_27, %get3A_28] : memref<1x256xf32, #tpu.memory_space<vmem>>, vector<1x256xf32>
    %mul3A = vector.broadcast %get3A_29 : vector<1x256xf32> to vector<2000x256xf32>
    %mul3A_30 = arith.mulf %mul3A, %add3A_9 : vector<2000x256xf32>
    %get3A_31 = arith.constant 0 : index
    %get3A_32 = arith.constant 0 : index
    %get3A_33 = vector.load %arg5[%get3A_31, %get3A_32] : memref<256x128xf32, #tpu.memory_space<vmem>>, vector<256x128xf32>
    %dot_general3A_34 = arith.constant dense<0.000000e+00> : vector<2000x128xf32>
    %dot_general3A_35 = tpu.matmul %mul3A_30, %get3A_33, %dot_general3A_34 {dimension_numbers = #tpu.dot_dimension_numbers<[1], [0], [0], [1], [0, 0, 1, 1], [], []>, transpose_lhs_hint = false} : vector<2000x256xf32>, vector<256x128xf32>, vector<2000x128xf32> -> vector<2000x128xf32>
    %tanh3A = math.tanh %dot_general3A_35 : vector<2000x128xf32>
    %sub3A = arith.subf %get3A_1, %tanh3A : vector<2000x128xf32>
    %swap3A_36 = arith.constant 0 : index
    %swap3A_37 = arith.constant 0 : index
    %swap3A_38 = vector.load %arg7[%swap3A_36, %swap3A_37] : memref<2000x128xf32, #tpu.memory_space<vmem>>, vector<2000x128xf32>
    tpu.vector_store %arg7[%swap3A_36, %swap3A_37], %sub3A {strides = array<i32>} : memref<2000x128xf32, #tpu.memory_space<vmem>>, vector<2000x128xf32>,
    return
  }
  func.func @transform_0(%arg0: i32) -> (i32, i32) {
    %c0_i32 = arith.constant 0 : i32
    %c0_i32_0 = arith.constant 0 : i32
    return %arg0, %c0_i32 : i32, i32
  }
  func.func @transform_1(%arg0: i32) -> (i32, i32) {
    %c0_i32 = arith.constant 0 : i32
    %c0_i32_0 = arith.constant 0 : i32
    %c0_i32_1 = arith.constant 0 : i32
    return %c0_i32, %c0_i32_0 : i32, i32
  }
  func.func @transform_2(%arg0: i32) -> (i32, i32) {
    %c0_i32 = arith.constant 0 : i32
    %c0_i32_0 = arith.constant 0 : i32
    %c0_i32_1 = arith.constant 0 : i32
    return %c0_i32, %c0_i32_0 : i32, i32
  }
  func.func @transform_3(%arg0: i32) -> (i32, i32) {
    %c0_i32 = arith.constant 0 : i32
    %c0_i32_0 = arith.constant 0 : i32
    %c0_i32_1 = arith.constant 0 : i32
    return %c0_i32, %c0_i32_0 : i32, i32
  }
  func.func @transform_4(%arg0: i32) -> (i32, i32) {
    %c0_i32 = arith.constant 0 : i32
    %c0_i32_0 = arith.constant 0 : i32
    %c0_i32_1 = arith.constant 0 : i32
    return %c0_i32, %c0_i32_0 : i32, i32
  }
  func.func @transform_5(%arg0: i32) -> (i32, i32) {
    %c0_i32 = arith.constant 0 : i32
    %c0_i32_0 = arith.constant 0 : i32
    return %arg0, %c0_i32 : i32, i32
  }
  func.func @transform_6(%arg0: i32) -> (i32, i32) {
    %c0_i32 = arith.constant 0 : i32
    %c0_i32_0 = arith.constant 0 : i32
    return %arg0, %c0_i32 : i32, i32
  }
}

module attributes {stable_mosaic.version = 14 : i64} {
  func.func @_pair_body(%arg0: i32, %arg1: memref<2560x100xf32, #tpu.memory_space<vmem>>, %arg2: memref<2560x128xi32, #tpu.memory_space<vmem>>, %arg3: memref<100x256xf32, #tpu.memory_space<vmem>>, %arg4: memref<1x256xf32, #tpu.memory_space<vmem>>, %arg5: memref<256x128xf32, #tpu.memory_space<vmem>>, %arg6: memref<2560x128xf32, #tpu.memory_space<vmem>>) attributes {dimension_semantics = [#tpu.dimension_semantics<arbitrary>], iteration_bounds = array<i64: 125>, scalar_prefetch = 0 : i64, scratch_operands = 0 : i64, tpu.core_type = #tpu.core_type<tc>, window_params = [{transform_indices = @transform_0, window_bounds = array<i64: 2560, 100>}, {transform_indices = @transform_1, window_bounds = array<i64: 2560, 128>}, {pipeline_mode = #tpu.pipeline_mode<synchronous>, transform_indices = @transform_2, window_bounds = array<i64: 100, 256>}, {pipeline_mode = #tpu.pipeline_mode<synchronous>, transform_indices = @transform_3, window_bounds = array<i64: 1, 256>}, {pipeline_mode = #tpu.pipeline_mode<synchronous>, transform_indices = @transform_4, window_bounds = array<i64: 256, 128>}, {transform_indices = @transform_5, window_bounds = array<i64: 2560, 128>}]} {
    %get3A = arith.constant 0 : index
    %get3A_0 = arith.constant 0 : index
    %get3A_1 = vector.load %arg1[%get3A, %get3A_0] : memref<2560x100xf32, #tpu.memory_space<vmem>>, vector<2560x100xf32>
    %get3A_2 = arith.constant 0 : index
    %get3A_3 = arith.constant 0 : index
    %get3A_4 = vector.load %arg3[%get3A_2, %get3A_3] : memref<100x256xf32, #tpu.memory_space<vmem>>, vector<100x256xf32>
    %dot_general3A = arith.constant dense<0.000000e+00> : vector<2560x256xf32>
    %dot_general3A_5 = tpu.matmul %get3A_1, %get3A_4, %dot_general3A {dimension_numbers = #tpu.dot_dimension_numbers<[1], [0], [0], [1], [0, 0, 1, 1], [], []>, transpose_lhs_hint = false} : vector<2560x100xf32>, vector<100x256xf32>, vector<2560x256xf32> -> vector<2560x256xf32>
    %get3A_6 = arith.constant 0 : index
    %get3A_7 = arith.constant 0 : index
    %get3A_8 = vector.load %arg4[%get3A_6, %get3A_7] : memref<1x256xf32, #tpu.memory_space<vmem>>, vector<1x256xf32>
    %add3A = vector.broadcast %get3A_8 : vector<1x256xf32> to vector<2560x256xf32>
    %add3A_9 = arith.addf %dot_general3A_5, %add3A : vector<2560x256xf32>
    %get3A_10 = arith.constant 0 : index
    %get3A_11 = arith.constant 0 : index
    %get3A_12 = vector.load %arg2[%get3A_10, %get3A_11] : memref<2560x128xi32, #tpu.memory_space<vmem>>, vector<2560x128xi32>
    %shift_left3A = arith.constant 16 : i32
    %shift_left3A_13 = vector.broadcast %shift_left3A : i32 to vector<2560x128xi32>
    %shift_left3A_14 = arith.shli %get3A_12, %shift_left3A_13 : vector<2560x128xi32>
    %bitcast_convert_type3A = tpu.bitcast %shift_left3A_14 : vector<2560x128xi32> -> vector<2560x128xf32>
    %and3A = arith.constant -65536 : i32
    %and3A_15 = vector.broadcast %and3A : i32 to vector<2560x128xi32>
    %and3A_16 = arith.andi %get3A_12, %and3A_15 : vector<2560x128xi32>
    %bitcast_convert_type3A_17 = tpu.bitcast %and3A_16 : vector<2560x128xi32> -> vector<2560x128xf32>
    %slice3A = vector.extract_strided_slice %add3A_9 {offsets = [0, 0], sizes = [2560, 128], strides = [1, 1]} : vector<2560x256xf32> to vector<2560x128xf32>
    %mul3A = arith.mulf %slice3A, %bitcast_convert_type3A : vector<2560x128xf32>
    %slice3A_18 = vector.extract_strided_slice %add3A_9 {offsets = [0, 128], sizes = [2560, 128], strides = [1, 1]} : vector<2560x256xf32> to vector<2560x128xf32>
    %mul3A_19 = arith.mulf %slice3A_18, %bitcast_convert_type3A_17 : vector<2560x128xf32>
    %get3A_20 = arith.constant 0 : index
    %get3A_21 = arith.constant 0 : index
    %get3A_22 = vector.load %arg5[%get3A_20, %get3A_21] : memref<256x128xf32, #tpu.memory_space<vmem>>, vector<256x128xf32>
    %slice3A_23 = vector.extract_strided_slice %get3A_22 {offsets = [0, 0], sizes = [128, 128], strides = [1, 1]} : vector<256x128xf32> to vector<128x128xf32>
    %dot_general3A_24 = arith.constant dense<0.000000e+00> : vector<2560x128xf32>
    %dot_general3A_25 = tpu.matmul %mul3A, %slice3A_23, %dot_general3A_24 {dimension_numbers = #tpu.dot_dimension_numbers<[1], [0], [0], [1], [0, 0, 1, 1], [], []>, transpose_lhs_hint = false} : vector<2560x128xf32>, vector<128x128xf32>, vector<2560x128xf32> -> vector<2560x128xf32>
    %slice3A_26 = vector.extract_strided_slice %get3A_22 {offsets = [128, 0], sizes = [128, 128], strides = [1, 1]} : vector<256x128xf32> to vector<128x128xf32>
    %dot_general3A_27 = arith.constant dense<0.000000e+00> : vector<2560x128xf32>
    %dot_general3A_28 = tpu.matmul %mul3A_19, %slice3A_26, %dot_general3A_27 {dimension_numbers = #tpu.dot_dimension_numbers<[1], [0], [0], [1], [0, 0, 1, 1], [], []>, transpose_lhs_hint = false} : vector<2560x128xf32>, vector<128x128xf32>, vector<2560x128xf32> -> vector<2560x128xf32>
    %add3A_29 = arith.addf %dot_general3A_25, %dot_general3A_28 : vector<2560x128xf32>
    %tanh3A = math.tanh %add3A_29 : vector<2560x128xf32>
    %swap3A = arith.constant 0 : index
    %swap3A_30 = arith.constant 0 : index
    %swap3A_31 = vector.load %arg6[%swap3A, %swap3A_30] : memref<2560x128xf32, #tpu.memory_space<vmem>>, vector<2560x128xf32>
    tpu.vector_store %arg6[%swap3A, %swap3A_30], %tanh3A {strides = array<i32>} : memref<2560x128xf32, #tpu.memory_space<vmem>>, vector<2560x128xf32>,
    return
  }
  func.func @transform_0(%arg0: i32) -> (i32, i32) {
    %c0_i32 = arith.constant 0 : i32
    %c0_i32_0 = arith.constant 0 : i32
    return %arg0, %c0_i32 : i32, i32
  }
  func.func @transform_1(%arg0: i32) -> (i32, i32) {
    %c0_i32 = arith.constant 0 : i32
    %c0_i32_0 = arith.constant 0 : i32
    return %arg0, %c0_i32 : i32, i32
  }
  func.func @transform_2(%arg0: i32) -> (i32, i32) {
    %c0_i32 = arith.constant 0 : i32
    %c0_i32_0 = arith.constant 0 : i32
    %c0_i32_1 = arith.constant 0 : i32
    return %c0_i32, %c0_i32_0 : i32, i32
  }
  func.func @transform_3(%arg0: i32) -> (i32, i32) {
    %c0_i32 = arith.constant 0 : i32
    %c0_i32_0 = arith.constant 0 : i32
    %c0_i32_1 = arith.constant 0 : i32
    return %c0_i32, %c0_i32_0 : i32, i32
  }
  func.func @transform_4(%arg0: i32) -> (i32, i32) {
    %c0_i32 = arith.constant 0 : i32
    %c0_i32_0 = arith.constant 0 : i32
    %c0_i32_1 = arith.constant 0 : i32
    return %c0_i32, %c0_i32_0 : i32, i32
  }
  func.func @transform_5(%arg0: i32) -> (i32, i32) {
    %c0_i32 = arith.constant 0 : i32
    %c0_i32_0 = arith.constant 0 : i32
    return %arg0, %c0_i32 : i32, i32
  }
}

module attributes {stable_mosaic.version = 14 : i64} {
  func.func @_combine_body(%arg0: i32, %arg1: memref<2x2000x128xf32, #tpu.memory_space<vmem>>, %arg2: memref<2000x128xf32, #tpu.memory_space<vmem>>, %arg3: memref<2000x128xf32, #tpu.memory_space<vmem>>) attributes {dimension_semantics = [#tpu.dimension_semantics<arbitrary>], iteration_bounds = array<i64: 5>, scalar_prefetch = 0 : i64, scratch_operands = 0 : i64, tpu.core_type = #tpu.core_type<tc>, window_params = [{transform_indices = @transform_0, window_bounds = array<i64: 2, 2000, 128>}, {transform_indices = @transform_1, window_bounds = array<i64: 2000, 128>}, {transform_indices = @transform_2, window_bounds = array<i64: 2000, 128>}]} {
    %get3A = arith.constant 0 : index
    %get3A_0 = arith.constant 0 : index
    %get3A_1 = arith.constant 0 : index
    %get3A_2 = vector.load %arg1[%get3A, %get3A_0, %get3A_1] : memref<2x2000x128xf32, #tpu.memory_space<vmem>>, vector<1x2000x128xf32>
    %get3A_3 = vector.shape_cast %get3A_2 : vector<1x2000x128xf32> to vector<2000x128xf32>
    %get3A_4 = arith.constant 1 : index
    %get3A_5 = arith.constant 0 : index
    %get3A_6 = arith.constant 0 : index
    %get3A_7 = vector.load %arg1[%get3A_4, %get3A_5, %get3A_6] : memref<2x2000x128xf32, #tpu.memory_space<vmem>>, vector<1x2000x128xf32>
    %get3A_8 = vector.shape_cast %get3A_7 : vector<1x2000x128xf32> to vector<2000x128xf32>
    %add3A = arith.addf %get3A_3, %get3A_8 : vector<2000x128xf32>
    %get3A_9 = arith.constant 0 : index
    %get3A_10 = arith.constant 0 : index
    %get3A_11 = vector.load %arg2[%get3A_9, %get3A_10] : memref<2000x128xf32, #tpu.memory_space<vmem>>, vector<2000x128xf32>
    %add3A_12 = arith.addf %add3A, %get3A_11 : vector<2000x128xf32>
    %swap3A = arith.constant 0 : index
    %swap3A_13 = arith.constant 0 : index
    %swap3A_14 = vector.load %arg3[%swap3A, %swap3A_13] : memref<2000x128xf32, #tpu.memory_space<vmem>>, vector<2000x128xf32>
    tpu.vector_store %arg3[%swap3A, %swap3A_13], %add3A_12 {strides = array<i32>} : memref<2000x128xf32, #tpu.memory_space<vmem>>, vector<2000x128xf32>,
    return
  }
  func.func @transform_0(%arg0: i32) -> (i32, i32, i32) {
    %c0_i32 = arith.constant 0 : i32
    %c0_i32_0 = arith.constant 0 : i32
    %c0_i32_1 = arith.constant 0 : i32
    return %c0_i32, %arg0, %c0_i32_0 : i32, i32, i32
  }
  func.func @transform_1(%arg0: i32) -> (i32, i32) {
    %c0_i32 = arith.constant 0 : i32
    %c0_i32_0 = arith.constant 0 : i32
    return %arg0, %c0_i32 : i32, i32
  }
  func.func @transform_2(%arg0: i32) -> (i32, i32) {
    %c0_i32 = arith.constant 0 : i32
    %c0_i32_0 = arith.constant 0 : i32
    return %arg0, %c0_i32 : i32, i32
  }
}

</mosaic_0001>

<sc_bundles>
// kernel: kernel.10.cloned.1.call-start
scs
__scs_entry_jumppad:
0x0: {  	(pc) =	sbr.rel $0x88, $3  }
0x1: {  	(tag) =	ssettag $0x0;
	lr =	simm.s32 $0x1  }
0x2: {  	[smem:$0x3F98] =	sst lr;
	_ =	strace $0xD0000000  }
0x3: {  	_ = 	snop  }
0x4: {  	_ = 	snop  }
0x5: {  	_ = 	snop  }
0x6: {  	_ = 	snop  }
0x7: {  	_ = 	snop  }
__scs_overlays_trampoline_lowered:
0x8: {  	[smem:$0x3FA7] =	sst s0  }
0x9: {  	[smem:$0x3FA8] =	sst s1  }
0xa: {  	[smem:$0x3FA9] =	sst s2  }
0xb: {  	[smem:$0x3FAA] =	sst s3  }
0xc: {  	[smem:$0x3FAB] =	sst s4  }
0xd: {  	[smem:$0x3FAC] =	sst s5  }
0xe: {  	[smem:$0x3FAD] =	sst s6  }
0xf: {  	[smem:$0x3FAE] =	sst s7  }
0x10: {  	[smem:$0x3FAF] =	sst s8  }
0x11: {  	[smem:$0x3FB0] =	sst s9;
	s0 =	simm.s32 @!p0 $0x0  }
0x12: {  	s1 =	sld [smem:$0x3F96];
	s0 =	simm.s32 @p0 $0x1  }
0x13: {  	[smem:$0x3FB1] =	sst s0;
	s0 =	simm.s32 @!p1 $0x0  }
0x14: {  	s2 =	sld [smem:$0x3F95];
	s0 =	simm.s32 @p1 $0x1  }
0x15: {  	[smem:$0x3FB2] =	sst s0;
	s0 =	simm.s32 @!p2 $0x0  }
0x16: {  	s3 =	sld [smem:$0x3FDB];
	s0 =	simm.s32 @p2 $0x1  }
0x17: {  	s4 =	simm.s32 $0x1BF5;
	[smem:$0x3FB4] =	sst s0  }
0x18: {  	s0 =	sld [smem:$0x3F97];
	_ =	swait.ge [sflag:s4], $0x0  }
0x19: {  	s7 =	sld [smem:$0x3F98]  }
0x1a: {  	s8 =	sadd.s32 $0xFFFFE003, lr  }
0x1b: {  	s9 =	sadd.s32 $0xFFFFFEF7, lr;
	s5 =	simm.s32 $0xFFFFFFFF;
	p2 =	slt.u32 s8, $0xFFFFF086  }
0x1c: {  	p1 =	slt.u32 s9, $0xF7A;
	s5 =	simm.s32 @!p2 $0x0  }
0x1d: {  	s5 =	simm.s32 @p1 $0x1;
	p0 =	seq.s32 s7, s2  }
0x1e: {  	s7 =	smul.u32 @!p0 $0xF7A, s2;
	p2 =	seq.s32 @!p0 s5, $0x0  }
0x1f: {  	s9 =	smul.u32 $0xF7A, s1;
	s8 =	simm.s32 @!p0 $0x1BF5;
	p2 =	por !p2, p0  }
0x20: {  	[sflag:s8] =	ssyncset.s32 @!p0 $0xFFFFF086;
	s6 =	sadd.s32 @!p0 s3, s7;
	s7 =	simm.s32 @!p0 $0x108  }
0x21: {  	s3 =	sadd.s32 s3, s9;
	s6 =	sadd.s32 @!p0 $0x88, s6;
	s7 =	simm.s32 @p2 $0x1082  }
0x22: {  	[simem:s7], [sflag:s8] =	dma.local @!p0 [hbm:s6], $0xF7A  }
0x23: {  	s9 =	sor.u32 $0xD0000000, s2;
	s6 =	simm.s32 $0x108;
	_ =	swait.ge @!p0 [sflag:s8], $0x0  }
0x24: {  	s3 =	sadd.s32 $0x88, s3;
	s6 =	simm.s32 @!p1 $0x1082;
	[sflag:s4] =	ssyncset.s32 $0xFFFFF086  }
0x25: {  	[simem:s6], [sflag:s4] =	dma.local [hbm:s3], $0xF7A  }
0x26: {  	[smem:$0x3F98] =	sst s1;
	(tag) =	ssettag s2;
	_ =	strace s9  }
0x27: {  	s1 =	sld [smem:$0x3FA8]  }
0x28: {  	s2 =	sld [smem:$0x3FA9]  }
0x29: {  	s4 =	sld [smem:$0x3FAB]  }
0x2a: {  	p0 =	seq.s32 s5, $0x0;
	s5 =	sld [smem:$0x3FAC]  }
0x2b: {  	s6 =	sld [smem:$0x3FAD]  }
0x2c: {  	s7 =	sld [smem:$0x3FAE]  }
0x2d: {  	s3 =	simm.s32 $0x108;
	s8 =	sld [smem:$0x3FAF]  }
0x2e: {  	s3 =	simm.s32 @!p0 $0x1082;
	s9 =	sld [smem:$0x3FB0]  }
0x2f: {  	lr =	sadd.s32 s0, s3;
	s0 =	sld [smem:$0x3FA7]  }
0x30: {  	s3 =	sld [smem:$0x3FAA]  }
0x31: {  	[smem:$0x3FB3] =	sst s10  }
0x32: {  	s10 =	sld [smem:$0x3FB1];
	_ =	sdelay $0x3  }
0x33: {  	p0 =	seq.s32 s10, $0x1;
	s10 =	sld [smem:$0x3FB3];
	_ =	sdelay $0x3  }
0x34: {  	[smem:$0x3FB3] =	sst s10  }
0x35: {  	s10 =	sld [smem:$0x3FB2];
	_ =	sdelay $0x3  }
0x36: {  	p1 =	seq.s32 s10, $0x1;
	s10 =	sld [smem:$0x3FB3];
	_ =	sdelay $0x3  }
0x37: {  	[smem:$0x3FB3] =	sst s10  }
0x38: {  	s10 =	sld [smem:$0x3FB4]  }
0x39: {  	_ = 	snop;
	(pc) =	sbr.ind lr, $3  }
0x3a: {  	_ = 	snop  }
0x3b: {  	_ = 	snop  }
0x3c: {  	p2 =	seq.s32 s10, $0x1;
	s10 =	sld [smem:$0x3FB3]  }
0x3d: {  	_ =	shalt  }
0x3e: {  	_ =	shalt  }
0x3f: {  	_ =	shalt  }
0x40: {  	_ =	shalt  }
0x41: {  	_ =	shalt  }
0x42: {  	_ =	shalt  }
0x43: {  	_ =	shalt  }
0x44: {  	_ =	shalt  }
0x45: {  	_ =	shalt  }
0x46: {  	_ =	shalt  }
0x47: {  	_ =	shalt  }
0x48: {  	_ =	shalt  }
0x49: {  	_ =	shalt  }
0x4a: {  	_ =	shalt  }
0x4b: {  	_ =	shalt  }
0x4c: {  	_ =	shalt  }
0x4d: {  	_ =	shalt  }
0x4e: {  	_ =	shalt  }
0x4f: {  	_ =	shalt  }
0x50: {  	_ =	shalt  }
0x51: {  	_ =	shalt  }
0x52: {  	_ =	shalt  }
0x53: {  	_ =	shalt  }
0x54: {  	_ =	shalt  }
0x55: {  	_ =	shalt  }
0x56: {  	_ =	shalt  }
0x57: {  	_ =	shalt  }
0x58: {  	_ =	shalt  }
0x59: {  	_ =	shalt  }
0x5a: {  	_ =	shalt  }
0x5b: {  	_ =	shalt  }
0x5c: {  	_ =	shalt  }
0x5d: {  	_ =	shalt  }
0x5e: {  	_ =	shalt  }
0x5f: {  	_ =	shalt  }
0x60: {  	_ =	shalt  }
0x61: {  	_ =	shalt  }
0x62: {  	_ =	shalt  }
0x63: {  	_ =	shalt  }
0x64: {  	_ =	shalt  }
0x65: {  	_ =	shalt  }
0x66: {  	_ =	shalt  }
0x67: {  	_ =	shalt  }
0x68: {  	_ =	shalt  }
0x69: {  	_ =	shalt  }
0x6a: {  	_ =	shalt  }
0x6b: {  	_ =	shalt  }
0x6c: {  	_ =	shalt  }
0x6d: {  	_ =	shalt  }
0x6e: {  	_ =	shalt  }
0x6f: {  	_ =	shalt  }
0x70: {  	_ =	shalt  }
0x71: {  	_ =	shalt  }
0x72: {  	_ =	shalt  }
0x73: {  	_ =	shalt  }
0x74: {  	_ =	shalt  }
0x75: {  	_ =	shalt  }
0x76: {  	_ =	shalt  }
0x77: {  	_ =	shalt  }
0x78: {  	_ =	shalt  }
0x79: {  	_ =	shalt  }
0x7a: {  	_ =	shalt  }
0x7b: {  	_ =	shalt  }
0x7c: {  	_ =	shalt  }
0x7d: {  	_ =	shalt  }
0x7e: {  	_ =	shalt  }
0x7f: {  	_ =	shalt  }
0x80: {  	_ =	shalt  }
0x81: {  	_ =	shalt  }
0x82: {  	_ =	shalt  }
0x83: {  	_ =	shalt  }
0x84: {  	_ =	shalt  }
0x85: {  	_ =	shalt  }
0x86: {  	_ =	shalt  }
0x87: {  	_ =	shalt  }
.Lfunc_end0:
.L_simem_size_0:
called_computation.1_lowered:
.L_overlay_start_0:
0x88: {  	s2 =	sld [smem:$0x3FD9]  }
0x89: {  	s3 =	sld [smem:$0x3FFE];
	_ =	sdelay $0x1  }
0x8a: {  	s1 =	srdreg.scid  }
0x8b: {  	s0 =	sand.u32 $0x1, s1  }
0x8c: {  	s17 =	sshll.u32 s0, $0xA;
	s2 =	sadd.s32 s3, s2  }
0x8d: {  	s2 =	sadd.s32 s2, s17  }
0x8e: {  	[smem:$0x3FBF] =	sst s2  }
0x8f: {  	_ = 	snop  }
0x90: {  	s2 =	sld [smem:$0x3FC7]  }
0x91: {  	s18 =	sld [smem:$0x3FD0];
	(tm) =	ssettm $0x1  }
0x92: {  	s4 =	sld [smem:$0x3FFB];
	_ =	sdelay $0x3  }
0x93: {  	_ =	strace s4  }
0x94: {  	s4 =	sld [smem:$0x3FFC];
	_ =	sdelay $0x3  }
0x95: {  	_ =	strace s4  }
0x96: {  	s4 =	sld [smem:$0x3FFD];
	_ =	sdelay $0x3  }
0x97: {  	_ =	strace s4  }
0x98: {  	_ =	strace $0x8FFFFFFF  }
0x99: {  	s19 =	sld [smem:$0x3FDB];
	_ =	sdelay $0x1  }
0x9a: {  	s5 =	simm.s32 $_scs_section_size  }
0x9b: {  	s6 =	simm.s32 $_size__tile_overlayer_lowered;
	s7 =	simm.s32 $_tile_overlayer_lowered  }
0x9c: {  	s22 =	simm.s32 $0x1BFF;
	s21 =	sshll.u32 s7, $0x1;
	s4 =	sadd.s32 s5, s19  }
0x9d: {  	s8 =	simm.s32 $0x0;
	s20 =	sshll.u32 s6, $0x1;
	s6 =	sadd.s32 s21, s4  }
0x9e: {  	[timem:s8], [sflag:s22] =	dma.local [hbm:s6], s20  }
0x9f: {  	_ =	swait.ge [sflag:s22], s20  }
0xa0: {  	s5 =	ssub.s32 $0x0, s20;
	[sflag:s22] =	ssyncset.done $0x0  }
0xa1: {  	[sflag:s22] =	ssyncadd.s32 s5;
	_ =	sdelay $0x1  }
0xa2: {  	s23 =	simm.s32 $0x1B8B  }
0xa3: {  	_ =	swait.ge [sflag:s23], $0x1  }
0xa4: {  	[sflag:s23] =	ssyncset.done $0x0  }
0xa5: {  	s25 =	simm.s32 $0x1B8E;
	s24 =	sld [smem:$0x3FFE];
	[sflag:s23] =	ssyncadd.s32 $0xFFFFFFFF  }
0xa6: {  	s26 =	simm.s32 $execute0_lowered;
	[smem:$0x3FD2] =	sst s25  }
0xa7: {  	s6 =	sshll.u32 s26, $0x1;
	_ =	strace $0x80000049;
	[dreg:$0x1] =	wrdreg $0xFFFFFFFF  }
0xa8: {  	s28 =	simm.s32 $_size_execute0_lowered;
	s4 =	sadd.s32 s4, s6;
	[dreg:$0x0] =	wrdreg $0x0  }
0xa9: {  	s6 =	sshll.u32 s28, $0x1;
	[dreg:$0x2] =	wrdreg s4  }
0xaa: {  	[dreg:$0x3] =	wrdreg s6  }
0xab: {  	[dreg:$0x4] =	wrdreg $0xC0  }
0xac: {  	_ =	task [dreg:s8], $0x5FFFF  }
0xad: {  	[dreg:$0x1] =	wrdreg $0xFFFFFFFF  }
0xae: {  	[dreg:$0x0] =	wrdreg $0x60  }
0xaf: {  	[dreg:$0x2] =	wrdreg s24  }
0xb0: {  	[dreg:$0x3] =	wrdreg s2  }
0xb1: {  	[dreg:$0x4] =	wrdreg s18  }
0xb2: {  	[dreg:$0x5] =	wrdreg $0x81000  }
0xb3: {  	[dreg:$0x6] =	wrdreg $0x9  }
0xb4: {  	_ =	task.clear_ibuf [dreg:s8], $0x7FFFF;
	_ =	strace $0x90000049  }
0xb5: {  	s29 =	simm.s32 $0x9;
	_ =	strace $0x8000004B  }
0xb6: {  	_ =	swait.ge [sflag:s29], $0x1  }
0xb7: {  	[sflag:s29] =	ssyncadd.s32 $0xFFFFFFFF  }
0xb8: {  	_ =	strace $0x9000004B  }
0xb9: {  	_ =	sfence  }
0xba: {  	s30 =	sld [smem:$0x0];
	_ =	sdelay $0x2  }
0xbb: {  	s31 =	sshll.u32 s1, $0xD;
	s1 =	sshrl.u32 s1, $0x2  }
0xbc: {  	s3 =	sand.u32 $0x4000, s31;
	s1 =	sadd.s32 s1, s30  }
0xbd: {  	s0 =	sor.u32 s3, s0;
	s1 =	sshll.u32 s1, $0x11  }
0xbe: {  	s0 =	sor.u32 s1, s0  }
0xbf: {  	s0 =	sadd.s32 $0x8F2B, s0  }
0xc0: {  	[sflag:s0] =	ssyncadd.remote.s32 $0x1  }
0xc1: {  	_ =	sfence.sel $0xFFFF  }
0xc2: {  	[dreg:$0x0] =	wrdreg $0xFFFFFFFF;
	(pc) =	sbr.abs _section_cstart, $3  }
0xc3: {  	[dreg:$0x1] =	wrdreg $0xFFFFFFFF  }
0xc4: {  	_ =	task.clear_ibuf [dreg:s8], $0x2FFFF;
	_ =	strace $0x9FFFFFFF  }
0xc5: {  	(tm) =	ssettm $0x7FFFFFFF  }
tec
execute0_lowered:
.L_overlay_start_1:
0x0: {  	(tag) =	ssettag $0x1  }
0x1: {  	s0 =	rddreg [dreg:$0x0]  }
0x2: {  	s1 =	rddreg [dreg:$0x1]  }
0x3: {  	s4 =	rddreg [dreg:$0x2]  }
0x4: {  	s2 =	rddreg [dreg:$0x3];
	s3 =	simm.s32 $0x0  }
0x5: {  	s5 =	srdreg.scid;
	s21 =	stileid.u32;
	s29 =	simm.s32 $0x0  }
0x6: {  	[smem:$0x7FF] =	sst s3;
	s6 =	sand.u32 $0x1, s5;
	s18 =	smul.u32 $0x50000, s21  }
0x7: {  	s17 =	sadd.s32 $0x9ED400, s0;
	s5 =	smul.u32 $0x2800, s21;
	s22 =	sadd.s32 $0x12C000, s2  }
0x8: {  	s28 =	smul.u32 $0x2710, s21;
	p0 =	seq.s32 s21, $0xF;
	_ =	strace $0x8000004A  }
0x9: {  	s7 =	smul.u32 $0x27100, s6;
	s8 =	ssub.s32 $0x2, s6;
	s10 =	sshll.u32 s6, $0x4  }
0xa: {  	[dreg:$0x7] =	wrdreg s22;
	s6 =	smul.u32 $0x271000, s6;
	s22 =	simm.s32 $0x80  }
0xb: {  	s9 =	sshrl.u32 s8, $0x1;
	s11 =	sshrl.u32 s18, $0x2;
	s10 =	sor.u32 s21, s10  }
0xc: {  	s20 =	sadd.s32 s4, s5;
	s4 =	sadd.s32 $0x25800, s4;
	s18 =	smul.u32 $0x27100, s21  }
0xd: {  	s21 =	simm.s32 $0x100;
	s0 =	sadd.s32 s7, s0;
	s15 =	ssub.s32 s8, s9  }
0xe: {  	s19 =	sadd.s32 s11, s2;
	s16 =	smul.u32 $0x2710, s10;
	[dreg:$0x6] =	wrdreg s20  }
0xf: {  	[dreg:$0x8] =	wrdreg s4;
	s24 =	smul.u32 $0x27100, s10;
	s4 =	sadd.s32 s28, s7  }
0x10: {  	s6 =	sadd.s32 s6, s17;
	[dreg:$0x5] =	wrdreg s19;
	s14 =	sadd.s32 $0x29400, s0  }
0x11: {  	s15 =	smax.u32 s15, $0x1;
	s7 =	sadd.s32 $0x80, s4;
	s30 =	sadd.s32 s18, s6  }
0x12: {  	s19 =	sadd.s32 $0x100, s4;
	s23 =	sshrl.u32 s16, $0x3;
	s12 =	sadd.s32 $0x2700, s16  }
0x13: {  	s11 =	sadd.s32 s17, s24;
	s26 =	sadd.s32 $0x2680, s16;
	s31 =	sshrl.u32 s7, $0x3  }
0x14: {  	s18 =	sadd.s32 $0x1000, s30;
	s24 =	simm.s32 $0x1;
	s10 =	sadd.s32 s1, s23  }
0x15: {  	s25 =	sshrl.u32 s12, $0x3;
	s13 =	sshll.u32 s12, $0x4;
	s16 =	sshrl.u32 s26, $0x3  }
0x16: {  	s0 =	sshll.u32 s26, $0x4;
	s20 =	sadd.s32 s31, s1;
	s23 =	simm.s32 $0x4100  }
0x17: {  	s26 =	simm.s32 $0x2;
	s12 =	sadd.s32 s1, s25;
	s13 =	sadd.s32 s17, s13  }
0x18: {  	s16 =	sadd.s32 s1, s16;
	s17 =	sadd.s32 s17, s0;
	s25 =	simm.s32 $0x3  }
.LBB2_1:
0x19: {  	s0 =	rddreg [dreg:$0x7]  }
0x1a: {  	s4 =	rddreg [dreg:$0x8];
	s30 =	sshrl.u32 @p0 s0, $0x3;
	s0 =	simm.s32 @p0 $0x1FC3  }
0x1b: {  	[spmem:s30], [sflag:s0] =	dma.local @p0 [hbm:s4], $0x1900  }
0x1c: {  	s0 =	simm.s32 @p0 $0x3  }
0x1d: {  	_ =	swait.ge @p0 [sflag:s0], $0x1900  }
0x1e: {  	s4 =	stileid.u32;
	[sflag:s0] =	ssyncset.done @p0 $0x0  }
0x1f: {  	s4 =	sshll.u32 @!p0 s4, $0x6;
	[sflag:s0] =	ssyncadd.s32 @p0 $0xFFFFE700;
	s0 =	rddreg [dreg:$0x5]  }
0x20: {  	s31 =	sor.u32 @!p0 $0x1C03, s4;
	s4 =	rddreg [dreg:$0x6];
	s0 =	sshrl.u32 @!p0 s0, $0x3  }
0x21: {  	[spmem:s0], [sflag:s31] =	dma.local @!p0 [hbm:s4], $0x2800  }
0x22: {  	s4 =	simm.s32 @!p0 $0x3  }
0x23: {  	_ =	swait.ge @!p0 [sflag:s4], $0x2800  }
0x24: {  	[sflag:s4] =	ssyncset.done @!p0 $0x0  }
0x25: {  	[sflag:s4] =	ssyncadd.s32 @!p0 $0xFFFFD800  }
0x26: {  	[bflag:$0x0] =	sbarrier.arrive $0xFFFF  }
0x27: {  	[tilespmem:s3], [sflag:$0x1] =	stream.linear.gather [hbm4b:s10+s3], $0x80, $0x38;
	[tilespmem:$0x1B980] =	vst v63  }
0x28: {  	_ = 	snop  }
0x29: {  	[tilespmem:s21], [sflag:$0x1] =	stream.linear.gather [hbm4b:s11+s3], $0x4000, $0x38;
	[tilespmem:$0x1B980] =	vst v63  }
0x2a: {  	s7 =	sadd.s32 $0x0, s20  }
0x2b: {  	[tilespmem:s22], [sflag:$0x2] =	stream.linear.gather [hbm4b:s7+s3], $0x80, $0x38;
	[tilespmem:$0x1B980] =	vst v63  }
0x2c: {  	s8 =	sadd.s32 $0xFFFFF800, s18  }
0x2d: {  	[tilespmem:s23], [sflag:$0x2] =	stream.linear.gather [hbm4b:s8+s3], $0x4000, $0x38;
	[tilespmem:$0x1B980] =	vst v63  }
0x2e: {  	_ =	swait.ge [sflag:s24], $0x80  }
0x2f: {  	[sflag:s24] =	ssyncset.done $0x0  }
0x30: {  	[sflag:s24] =	ssyncadd.s32 $0xFFFFFF80  }
0x31: {  	_ =	swait.ge [sflag:s24], $0x4000  }
0x32: {  	[sflag:s24] =	ssyncset.done $0x0  }
0x33: {  	[sflag:s24] =	ssyncadd.s32 $0xFFFFC000  }
0x34: {  	[spmem:s2] =	stream.indirect.scatter.add.f32 [tilespmem:s21], [sflag:$0x3], $0x80, s3, s22, $0xb8;
	[tilespmem:$0x1B980] =	vst v63  }
0x35: {  	_ =	swait.ge [sflag:s25], $0x4000  }
0x36: {  	s9 =	sshrl.u32 s19, $0x3;
	[sflag:s25] =	ssyncset.done $0x0  }
0x37: {  	s4 =	sadd.s32 s1, s9;
	[sflag:s25] =	ssyncadd.s32 $0xFFFFC000  }
0x38: {  	[tilespmem:s3], [sflag:$0x1] =	stream.linear.gather [hbm4b:s4+s3], $0x80, $0x38;
	[tilespmem:$0x1B980] =	vst v63  }
0x39: {  	_ = 	snop  }
0x3a: {  	[tilespmem:s21], [sflag:$0x1] =	stream.linear.gather [hbm4b:s18+s3], $0x4000, $0x38;
	[tilespmem:$0x1B980] =	vst v63  }
0x3b: {  	_ =	swait.ge [sflag:s26], $0x80  }
0x3c: {  	[sflag:s26] =	ssyncset.done $0x0  }
0x3d: {  	[sflag:s26] =	ssyncadd.s32 $0xFFFFFF80  }
0x3e: {  	_ =	swait.ge [sflag:s26], $0x4000  }
0x3f: {  	[sflag:s26] =	ssyncset.done $0x0  }
0x40: {  	[sflag:s26] =	ssyncadd.s32 $0xFFFFC000  }
0x41: {  	[spmem:s2] =	stream.indirect.scatter.add.f32 [tilespmem:s23], [sflag:$0x3], $0x80, s22, s22, $0xb8;
	[tilespmem:$0x1B980] =	vst v63  }
0x42: {  	s6 =	simm.s32 $0x20;
	s28 =	sadd.s32 $0x100, s19;
	_ =	swait.ge [sflag:s25], $0x4000  }
0x43: {  	s7 =	simm.s32 $0x40;
	s4 =	sadd.s32 $0x1000, s18;
	[sflag:s25] =	ssyncset.done $0x0  }
.LBB2_2:
0x44: {  	s8 =	sadd.s32 s6, s20  }
0x45: {  	[sflag:s25] =	ssyncadd.s32 $0xFFFFC000;
	s6 =	smov.u32 s7;
	s9 =	sadd.s32 $0x20, s7  }
0x46: {  	[tilespmem:s22], [sflag:$0x2] =	stream.linear.gather [hbm4b:s8+s3], $0x80, $0x38;
	[tilespmem:$0x1B980] =	vst v63  }
0x47: {  	p1 =	sne.s32 s7, $0x4A0;
	s7 =	sadd.s32 $0xFFFFF800, s4  }
0x48: {  	[tilespmem:s23], [sflag:$0x2] =	stream.linear.gather [hbm4b:s7+s3], $0x4000, $0x38;
	[tilespmem:$0x1B980] =	vst v63  }
0x49: {  	_ =	swait.ge [sflag:s24], $0x80  }
0x4a: {  	[sflag:s24] =	ssyncset.done $0x0  }
0x4b: {  	[sflag:s24] =	ssyncadd.s32 $0xFFFFFF80  }
0x4c: {  	_ =	swait.ge [sflag:s24], $0x4000  }
0x4d: {  	[sflag:s24] =	ssyncset.done $0x0  }
0x4e: {  	[sflag:s24] =	ssyncadd.s32 $0xFFFFC000  }
0x4f: {  	[spmem:s2] =	stream.indirect.scatter.add.f32 [tilespmem:s21], [sflag:$0x3], $0x80, s3, s22, $0xb8;
	[tilespmem:$0x1B980] =	vst v63  }
0x50: {  	_ =	swait.ge [sflag:s25], $0x4000  }
0x51: {  	s7 =	sshrl.u32 s28, $0x3;
	[sflag:s25] =	ssyncset.done $0x0  }
0x52: {  	s7 =	sadd.s32 s1, s7;
	[sflag:s25] =	ssyncadd.s32 $0xFFFFC000  }
0x53: {  	[tilespmem:s3], [sflag:$0x1] =	stream.linear.gather [hbm4b:s7+s3], $0x80, $0x38;
	[tilespmem:$0x1B980] =	vst v63  }
0x54: {  	_ = 	snop  }
0x55: {  	[tilespmem:s21], [sflag:$0x1] =	stream.linear.gather [hbm4b:s4+s3], $0x4000, $0x38;
	[tilespmem:$0x1B980] =	vst v63  }
0x56: {  	_ =	swait.ge [sflag:s26], $0x80  }
0x57: {  	[sflag:s26] =	ssyncset.done $0x0  }
0x58: {  	[sflag:s26] =	ssyncadd.s32 $0xFFFFFF80  }
0x59: {  	_ =	swait.ge [sflag:s26], $0x4000  }
.Ltmp0:
0x5a: {  	[sflag:s26] =	ssyncset.done $0x0;
	(pc) =	sbr.rel @p1 .LBB2_2-.Ltmp0, $4  }
0x5b: {  	[sflag:s26] =	ssyncadd.s32 $0xFFFFC000  }
0x5c: {  	[spmem:s2] =	stream.indirect.scatter.add.f32 [tilespmem:s23], [sflag:$0x3], $0x80, s22, s22, $0xb8;
	[tilespmem:$0x1B980] =	vst v63  }
0x5d: {  	s28 =	sadd.s32 $0x100, s28;
	_ =	swait.ge [sflag:s25], $0x4000  }
0x5e: {  	s7 =	smov.u32 s9;
	s4 =	sadd.s32 $0x1000, s4;
	[sflag:s25] =	ssyncset.done $0x0  }
0x5f: {  	s6 =	sadd.s32 s6, s20;
	[sflag:s25] =	ssyncadd.s32 $0xFFFFC000  }
0x60: {  	[tilespmem:s22], [sflag:$0x2] =	stream.linear.gather [hbm4b:s6+s3], $0x80, $0x38;
	[tilespmem:$0x1B980] =	vst v63  }
0x61: {  	s8 =	sadd.s32 $0xFFFFF800, s4  }
0x62: {  	[tilespmem:s23], [sflag:$0x2] =	stream.linear.gather [hbm4b:s8+s3], $0x4000, $0x38;
	[tilespmem:$0x1B980] =	vst v63  }
0x63: {  	_ =	swait.ge [sflag:s24], $0x80  }
0x64: {  	[sflag:s24] =	ssyncset.done $0x0  }
0x65: {  	[sflag:s24] =	ssyncadd.s32 $0xFFFFFF80  }
0x66: {  	_ =	swait.ge [sflag:s24], $0x4000  }
0x67: {  	[sflag:s24] =	ssyncset.done $0x0  }
0x68: {  	[sflag:s24] =	ssyncadd.s32 $0xFFFFC000  }
0x69: {  	[spmem:s2] =	stream.indirect.scatter.add.f32 [tilespmem:s21], [sflag:$0x3], $0x80, s3, s22, $0xb8;
	[tilespmem:$0x1B980] =	vst v63  }
0x6a: {  	_ =	swait.ge [sflag:s25], $0x4000  }
0x6b: {  	s9 =	sshrl.u32 s28, $0x3;
	[sflag:s25] =	ssyncset.done $0x0  }
0x6c: {  	s6 =	sadd.s32 s1, s9;
	[sflag:s25] =	ssyncadd.s32 $0xFFFFC000  }
0x6d: {  	[tilespmem:s3], [sflag:$0x1] =	stream.linear.gather [hbm4b:s6+s3], $0x80, $0x38;
	[tilespmem:$0x1B980] =	vst v63  }
0x6e: {  	_ = 	snop  }
0x6f: {  	[tilespmem:s21], [sflag:$0x1] =	stream.linear.gather [hbm4b:s4+s3], $0x4000, $0x38;
	[tilespmem:$0x1B980] =	vst v63  }
0x70: {  	_ =	swait.ge [sflag:s26], $0x80  }
0x71: {  	[sflag:s26] =	ssyncset.done $0x0  }
0x72: {  	[sflag:s26] =	ssyncadd.s32 $0xFFFFFF80  }
0x73: {  	_ =	swait.ge [sflag:s26], $0x4000  }
0x74: {  	[sflag:s26] =	ssyncset.done $0x0  }
0x75: {  	[sflag:s26] =	ssyncadd.s32 $0xFFFFC000  }
0x76: {  	[spmem:s2] =	stream.indirect.scatter.add.f32 [tilespmem:s23], [sflag:$0x3], $0x80, s22, s22, $0xb8;
	[tilespmem:$0x1B980] =	vst v63  }
0x77: {  	_ =	swait.ge [sflag:s25], $0x4000  }
0x78: {  	[sflag:s25] =	ssyncset.done $0x0  }
0x79: {  	[sflag:s25] =	ssyncadd.s32 $0xFFFFC000  }
0x7a: {  	[tilespmem:s22], [sflag:$0x2] =	stream.linear.gather [hbm4b:s16+s3], $0x80, $0x38;
	[tilespmem:$0x1B980] =	vst v63  }
0x7b: {  	_ = 	snop  }
0x7c: {  	[tilespmem:s23], [sflag:$0x2] =	stream.linear.gather [hbm4b:s17+s3], $0x4000, $0x38;
	[tilespmem:$0x1B980] =	vst v63  }
0x7d: {  	_ =	swait.ge [sflag:s24], $0x80  }
0x7e: {  	[sflag:s24] =	ssyncset.done $0x0  }
0x7f: {  	[sflag:s24] =	ssyncadd.s32 $0xFFFFFF80  }
0x80: {  	_ =	swait.ge [sflag:s24], $0x4000  }
0x81: {  	[sflag:s24] =	ssyncset.done $0x0  }
0x82: {  	[sflag:s24] =	ssyncadd.s32 $0xFFFFC000  }
0x83: {  	[spmem:s2] =	stream.indirect.scatter.add.f32 [tilespmem:s21], [sflag:$0x3], $0x80, s3, s22, $0xb8;
	[tilespmem:$0x1B980] =	vst v63  }
0x84: {  	_ =	swait.ge [sflag:s25], $0x4000  }
0x85: {  	[sflag:s25] =	ssyncset.done $0x0  }
0x86: {  	[sflag:s25] =	ssyncadd.s32 $0xFFFFC000  }
0x87: {  	_ =	swait.ge [sflag:s26], $0x80  }
0x88: {  	[sflag:s26] =	ssyncset.done $0x0  }
0x89: {  	[sflag:s26] =	ssyncadd.s32 $0xFFFFFF80  }
0x8a: {  	_ =	swait.ge [sflag:s26], $0x4000  }
0x8b: {  	[sflag:s26] =	ssyncset.done $0x0  }
0x8c: {  	[sflag:s26] =	ssyncadd.s32 $0xFFFFC000  }
0x8d: {  	[spmem:s2] =	stream.indirect.scatter.add.f32 [tilespmem:s23], [sflag:$0x3], $0x80, s22, s22, $0xb8;
	[tilespmem:$0x1B980] =	vst v63  }
0x8e: {  	_ =	swait.ge [sflag:s25], $0x4000  }
0x8f: {  	[sflag:s25] =	ssyncset.done $0x0  }
0x90: {  	[sflag:s25] =	ssyncadd.s32 $0xFFFFC000  }
0x91: {  	[tilespmem:s3], [sflag:$0x3] =	stream.linear.gather [hbm4b:s12+s3], $0x10, $0x38;
	[tilespmem:$0x1B980] =	vst v63  }
0x92: {  	_ =	swait.ge [sflag:s25], $0x10  }
0x93: {  	[sflag:s25] =	ssyncset.done $0x0  }
0x94: {  	[sflag:s25] =	ssyncadd.s32 $0xFFFFFFF0  }
0x95: {  	[tilespmem:s21], [sflag:$0x3] =	stream.linear.gather [hbm4b:s13+s3], $0x800, $0x38;
	[tilespmem:$0x1B980] =	vst v63  }
0x96: {  	_ =	swait.ge [sflag:s25], $0x800  }
0x97: {  	[sflag:s25] =	ssyncset.done $0x0  }
0x98: {  	s28 =	simm.s32 $0x10;
	[sflag:s25] =	ssyncadd.s32 $0xFFFFF800  }
0x99: {  	[spmem:s2] =	stream.indirect.scatter.add.f32 [tilespmem:s21], [sflag:$0x3], $0x80, s3, s28, $0xb8;
	[tilespmem:$0x1B980] =	vst v63  }
0x9a: {  	_ =	swait.ge [sflag:s25], $0x800  }
0x9b: {  	[sflag:s25] =	ssyncset.done $0x0  }
0x9c: {  	[sflag:s25] =	ssyncadd.s32 $0xFFFFF800  }
0x9d: {  	s6 =	simm.s32 @p0 $0x1FC3;
	s4 =	sadd.s32 @p0 $0x25800, s14;
	[bflag:$0x0] =	sbarrier.arrive $0xFFFF  }
0x9e: {  	[hbm:s4], [sflag:s6] =	dma.local @p0 [spmem:s30], $0x1900  }
0x9f: {  	s4 =	simm.s32 @p0 $0x3  }
0xa0: {  	_ =	swait.ge @p0 [sflag:s4], $0x1900  }
0xa1: {  	s29 =	sadd.s32 $0x1, s29;
	[sflag:s4] =	ssyncset.done @p0 $0x0  }
0xa2: {  	p1 =	sne.s32 s29, s15;
	[sflag:s4] =	ssyncadd.s32 @p0 $0xFFFFE700;
	s4 =	sadd.s32 @!p0 s5, s14  }
0xa3: {  	[hbm:s4], [sflag:s31] =	dma.local @!p0 [spmem:s0], $0x2800  }
.Ltmp1:
0xa4: {  	_ = 	snop;
	(pc) =	sbr.rel @p1 .LBB2_1-.Ltmp1, $4  }
0xa5: {  	s0 =	simm.s32 @!p0 $0x3  }
0xa6: {  	_ =	swait.ge @!p0 [sflag:s0], $0x2800  }
0xa7: {  	[sflag:s0] =	ssyncset.done @!p0 $0x0  }
0xa8: {  	[sflag:s0] =	ssyncadd.s32 @!p0 $0xFFFFD800  }
0xa9: {  	_ =	sfence.sel $0x180000  }
0xaa: {  	[bflag:$0x0] =	sbarrier.arrive $0xFFFF  }
0xab: {  	_ =	strace $0x9000004A  }
0xac: {  	s0 =	stileid.u32;
	[bflag:$0x2] =	sbarrier.arrive $0xFFFF  }
0xad: {  	p0 =	sne.s32 s0, $0x0;
	s0 =	rddreg [dreg:$0x4]  }
0xae: {  	s0 =	sadd.s32 @!p0 $0x100000, s0  }
0xaf: {  	[sflag:s0] =	ssyncadd.tile.s32 @!p0 $0x1;
	_ =	shalt  }
.Lfunc_end2:
_tile_overlayer_lowered:
.L_overlay_start_2:
0xb0: {  	(tag) =	ssettag $0x2  }
0xb1: {  	s0 =	rddreg [dreg:$0x0];
	s2 =	stileid.u32  }
0xb2: {  	s1 =	rddreg [dreg:$0x1];
	p0 =	sne.s32 s2, $0x0  }
0xb3: {  	s3 =	rddreg [dreg:$0x2];
	[bflag:$0x3] =	sbarrier.arrive $0xFFFF;
	s2 =	simm.s32 @!p0 $0x1C03  }
0xb4: {  	[timem:s3], [sflag:s2] =	dma.local @!p0 [hbm:s0], s1  }
0xb5: {  	s0 =	simm.s32 @!p0 $0x3  }
0xb6: {  	_ =	swait.ge @!p0 [sflag:s0], s1  }
0xb7: {  	s1 =	ssub.s32 @!p0 $0x0, s1;
	[sflag:s0] =	ssyncset.done @!p0 $0x0  }
0xb8: {  	[sflag:s0] =	ssyncadd.s32 @!p0 s1  }
0xb9: {  	[bflag:$0x3] =	sbarrier.arrive $0xFFFF  }
0xba: {  	_ =	shalt  }

// kernel: kernel.7.cloned.1.call-start
scs
__scs_entry_jumppad:
0x0: {  	(pc) =	sbr.rel $0x88, $3  }
0x1: {  	(tag) =	ssettag $0x0;
	lr =	simm.s32 $0x1  }
0x2: {  	[smem:$0x3F98] =	sst lr;
	_ =	strace $0xD0000000  }
0x3: {  	_ = 	snop  }
0x4: {  	_ = 	snop  }
0x5: {  	_ = 	snop  }
0x6: {  	_ = 	snop  }
0x7: {  	_ = 	snop  }
__scs_overlays_trampoline_lowered:
0x8: {  	[smem:$0x3FA7] =	sst s0  }
0x9: {  	[smem:$0x3FA8] =	sst s1  }
0xa: {  	[smem:$0x3FA9] =	sst s2  }
0xb: {  	[smem:$0x3FAA] =	sst s3  }
0xc: {  	[smem:$0x3FAB] =	sst s4  }
0xd: {  	[smem:$0x3FAC] =	sst s5  }
0xe: {  	[smem:$0x3FAD] =	sst s6  }
0xf: {  	[smem:$0x3FAE] =	sst s7  }
0x10: {  	[smem:$0x3FAF] =	sst s8  }
0x11: {  	[smem:$0x3FB0] =	sst s9;
	s0 =	simm.s32 @!p0 $0x0  }
0x12: {  	s1 =	sld [smem:$0x3F96];
	s0 =	simm.s32 @p0 $0x1  }
0x13: {  	[smem:$0x3FB1] =	sst s0;
	s0 =	simm.s32 @!p1 $0x0  }
0x14: {  	s2 =	sld [smem:$0x3F95];
	s0 =	simm.s32 @p1 $0x1  }
0x15: {  	[smem:$0x3FB2] =	sst s0;
	s0 =	simm.s32 @!p2 $0x0  }
0x16: {  	s3 =	sld [smem:$0x3FDB];
	s0 =	simm.s32 @p2 $0x1  }
0x17: {  	s4 =	simm.s32 $0x1BF5;
	[smem:$0x3FB4] =	sst s0  }
0x18: {  	s0 =	sld [smem:$0x3F97];
	_ =	swait.ge [sflag:s4], $0x0  }
0x19: {  	s7 =	sld [smem:$0x3F98]  }
0x1a: {  	s8 =	sadd.s32 $0xFFFFE003, lr  }
0x1b: {  	s9 =	sadd.s32 $0xFFFFFEF7, lr;
	s5 =	simm.s32 $0xFFFFFFFF;
	p2 =	slt.u32 s8, $0xFFFFF086  }
0x1c: {  	p1 =	slt.u32 s9, $0xF7A;
	s5 =	simm.s32 @!p2 $0x0  }
0x1d: {  	s5 =	simm.s32 @p1 $0x1;
	p0 =	seq.s32 s7, s2  }
0x1e: {  	s7 =	smul.u32 @!p0 $0xF7A, s2;
	p2 =	seq.s32 @!p0 s5, $0x0  }
0x1f: {  	s9 =	smul.u32 $0xF7A, s1;
	s8 =	simm.s32 @!p0 $0x1BF5;
	p2 =	por !p2, p0  }
0x20: {  	[sflag:s8] =	ssyncset.s32 @!p0 $0xFFFFF086;
	s6 =	sadd.s32 @!p0 s3, s7;
	s7 =	simm.s32 @!p0 $0x108  }
0x21: {  	s3 =	sadd.s32 s3, s9;
	s6 =	sadd.s32 @!p0 $0x88, s6;
	s7 =	simm.s32 @p2 $0x1082  }
0x22: {  	[simem:s7], [sflag:s8] =	dma.local @!p0 [hbm:s6], $0xF7A  }
0x23: {  	s9 =	sor.u32 $0xD0000000, s2;
	s6 =	simm.s32 $0x108;
	_ =	swait.ge @!p0 [sflag:s8], $0x0  }
0x24: {  	s3 =	sadd.s32 $0x88, s3;
	s6 =	simm.s32 @!p1 $0x1082;
	[sflag:s4] =	ssyncset.s32 $0xFFFFF086  }
0x25: {  	[simem:s6], [sflag:s4] =	dma.local [hbm:s3], $0xF7A  }
0x26: {  	[smem:$0x3F98] =	sst s1;
	(tag) =	ssettag s2;
	_ =	strace s9  }
0x27: {  	s1 =	sld [smem:$0x3FA8]  }
0x28: {  	s2 =	sld [smem:$0x3FA9]  }
0x29: {  	s4 =	sld [smem:$0x3FAB]  }
0x2a: {  	p0 =	seq.s32 s5, $0x0;
	s5 =	sld [smem:$0x3FAC]  }
0x2b: {  	s6 =	sld [smem:$0x3FAD]  }
0x2c: {  	s7 =	sld [smem:$0x3FAE]  }
0x2d: {  	s3 =	simm.s32 $0x108;
	s8 =	sld [smem:$0x3FAF]  }
0x2e: {  	s3 =	simm.s32 @!p0 $0x1082;
	s9 =	sld [smem:$0x3FB0]  }
0x2f: {  	lr =	sadd.s32 s0, s3;
	s0 =	sld [smem:$0x3FA7]  }
0x30: {  	s3 =	sld [smem:$0x3FAA]  }
0x31: {  	[smem:$0x3FB3] =	sst s10  }
0x32: {  	s10 =	sld [smem:$0x3FB1];
	_ =	sdelay $0x3  }
0x33: {  	p0 =	seq.s32 s10, $0x1;
	s10 =	sld [smem:$0x3FB3];
	_ =	sdelay $0x3  }
0x34: {  	[smem:$0x3FB3] =	sst s10  }
0x35: {  	s10 =	sld [smem:$0x3FB2];
	_ =	sdelay $0x3  }
0x36: {  	p1 =	seq.s32 s10, $0x1;
	s10 =	sld [smem:$0x3FB3];
	_ =	sdelay $0x3  }
0x37: {  	[smem:$0x3FB3] =	sst s10  }
0x38: {  	s10 =	sld [smem:$0x3FB4]  }
0x39: {  	_ = 	snop;
	(pc) =	sbr.ind lr, $3  }
0x3a: {  	_ = 	snop  }
0x3b: {  	_ = 	snop  }
0x3c: {  	p2 =	seq.s32 s10, $0x1;
	s10 =	sld [smem:$0x3FB3]  }
0x3d: {  	_ =	shalt  }
0x3e: {  	_ =	shalt  }
0x3f: {  	_ =	shalt  }
0x40: {  	_ =	shalt  }
0x41: {  	_ =	shalt  }
0x42: {  	_ =	shalt  }
0x43: {  	_ =	shalt  }
0x44: {  	_ =	shalt  }
0x45: {  	_ =	shalt  }
0x46: {  	_ =	shalt  }
0x47: {  	_ =	shalt  }
0x48: {  	_ =	shalt  }
0x49: {  	_ =	shalt  }
0x4a: {  	_ =	shalt  }
0x4b: {  	_ =	shalt  }
0x4c: {  	_ =	shalt  }
0x4d: {  	_ =	shalt  }
0x4e: {  	_ =	shalt  }
0x4f: {  	_ =	shalt  }
0x50: {  	_ =	shalt  }
0x51: {  	_ =	shalt  }
0x52: {  	_ =	shalt  }
0x53: {  	_ =	shalt  }
0x54: {  	_ =	shalt  }
0x55: {  	_ =	shalt  }
0x56: {  	_ =	shalt  }
0x57: {  	_ =	shalt  }
0x58: {  	_ =	shalt  }
0x59: {  	_ =	shalt  }
0x5a: {  	_ =	shalt  }
0x5b: {  	_ =	shalt  }
0x5c: {  	_ =	shalt  }
0x5d: {  	_ =	shalt  }
0x5e: {  	_ =	shalt  }
0x5f: {  	_ =	shalt  }
0x60: {  	_ =	shalt  }
0x61: {  	_ =	shalt  }
0x62: {  	_ =	shalt  }
0x63: {  	_ =	shalt  }
0x64: {  	_ =	shalt  }
0x65: {  	_ =	shalt  }
0x66: {  	_ =	shalt  }
0x67: {  	_ =	shalt  }
0x68: {  	_ =	shalt  }
0x69: {  	_ =	shalt  }
0x6a: {  	_ =	shalt  }
0x6b: {  	_ =	shalt  }
0x6c: {  	_ =	shalt  }
0x6d: {  	_ =	shalt  }
0x6e: {  	_ =	shalt  }
0x6f: {  	_ =	shalt  }
0x70: {  	_ =	shalt  }
0x71: {  	_ =	shalt  }
0x72: {  	_ =	shalt  }
0x73: {  	_ =	shalt  }
0x74: {  	_ =	shalt  }
0x75: {  	_ =	shalt  }
0x76: {  	_ =	shalt  }
0x77: {  	_ =	shalt  }
0x78: {  	_ =	shalt  }
0x79: {  	_ =	shalt  }
0x7a: {  	_ =	shalt  }
0x7b: {  	_ =	shalt  }
0x7c: {  	_ =	shalt  }
0x7d: {  	_ =	shalt  }
0x7e: {  	_ =	shalt  }
0x7f: {  	_ =	shalt  }
0x80: {  	_ =	shalt  }
0x81: {  	_ =	shalt  }
0x82: {  	_ =	shalt  }
0x83: {  	_ =	shalt  }
0x84: {  	_ =	shalt  }
0x85: {  	_ =	shalt  }
0x86: {  	_ =	shalt  }
0x87: {  	_ =	shalt  }
.Lfunc_end0:
.L_simem_size_0:
called_computation_lowered:
.L_overlay_start_0:
0x88: {  	s2 =	sld [smem:$0x3FD9]  }
0x89: {  	s3 =	sld [smem:$0x3FFE];
	_ =	sdelay $0x1  }
0x8a: {  	s1 =	srdreg.scid  }
0x8b: {  	s0 =	sand.u32 $0x1, s1  }
0x8c: {  	s17 =	sshll.u32 s0, $0xA;
	s2 =	sadd.s32 s3, s2  }
0x8d: {  	s2 =	sadd.s32 s2, s17  }
0x8e: {  	[smem:$0x3FBF] =	sst s2  }
0x8f: {  	_ = 	snop  }
0x90: {  	s2 =	sld [smem:$0x3FC6]  }
0x91: {  	s18 =	sld [smem:$0x3FD0];
	(tm) =	ssettm $0x1  }
0x92: {  	s4 =	sld [smem:$0x3FFB];
	_ =	sdelay $0x3  }
0x93: {  	_ =	strace s4  }
0x94: {  	s4 =	sld [smem:$0x3FFC];
	_ =	sdelay $0x3  }
0x95: {  	_ =	strace s4  }
0x96: {  	s4 =	sld [smem:$0x3FFD];
	_ =	sdelay $0x3  }
0x97: {  	_ =	strace s4  }
0x98: {  	_ =	strace $0x8FFFFFFF  }
0x99: {  	s19 =	sld [smem:$0x3FDB];
	_ =	sdelay $0x1  }
0x9a: {  	s5 =	simm.s32 $_scs_section_size  }
0x9b: {  	s6 =	simm.s32 $_size__tile_overlayer_lowered;
	s7 =	simm.s32 $_tile_overlayer_lowered  }
0x9c: {  	s22 =	simm.s32 $0x1BFF;
	s21 =	sshll.u32 s7, $0x1;
	s4 =	sadd.s32 s5, s19  }
0x9d: {  	s8 =	simm.s32 $0x0;
	s20 =	sshll.u32 s6, $0x1;
	s6 =	sadd.s32 s21, s4  }
0x9e: {  	[timem:s8], [sflag:s22] =	dma.local [hbm:s6], s20  }
0x9f: {  	_ =	swait.ge [sflag:s22], s20  }
0xa0: {  	s5 =	ssub.s32 $0x0, s20;
	[sflag:s22] =	ssyncset.done $0x0  }
0xa1: {  	[sflag:s22] =	ssyncadd.s32 s5;
	_ =	sdelay $0x1  }
0xa2: {  	s23 =	simm.s32 $0x1B8B  }
0xa3: {  	_ =	swait.ge [sflag:s23], $0x1  }
0xa4: {  	[sflag:s23] =	ssyncset.done $0x0  }
0xa5: {  	s25 =	simm.s32 $0x1B8E;
	s24 =	sld [smem:$0x3FFE];
	[sflag:s23] =	ssyncadd.s32 $0xFFFFFFFF  }
0xa6: {  	s26 =	simm.s32 $execute0_lowered;
	[smem:$0x3FD2] =	sst s25  }
0xa7: {  	s6 =	sshll.u32 s26, $0x1;
	_ =	strace $0x80000046;
	[dreg:$0x1] =	wrdreg $0xFFFFFFFF  }
0xa8: {  	s28 =	simm.s32 $_size_execute0_lowered;
	s4 =	sadd.s32 s4, s6;
	[dreg:$0x0] =	wrdreg $0x0  }
0xa9: {  	s6 =	sshll.u32 s28, $0x1;
	[dreg:$0x2] =	wrdreg s4  }
0xaa: {  	[dreg:$0x3] =	wrdreg s6  }
0xab: {  	[dreg:$0x4] =	wrdreg $0xC0  }
0xac: {  	_ =	task [dreg:s8], $0x5FFFF  }
0xad: {  	[dreg:$0x1] =	wrdreg $0xFFFFFFFF  }
0xae: {  	[dreg:$0x0] =	wrdreg $0x60  }
0xaf: {  	[dreg:$0x2] =	wrdreg s18  }
0xb0: {  	[dreg:$0x3] =	wrdreg s2  }
0xb1: {  	[dreg:$0x4] =	wrdreg s24  }
0xb2: {  	[dreg:$0x5] =	wrdreg $0x9  }
0xb3: {  	_ =	task.clear_ibuf [dreg:s8], $0x6FFFF;
	_ =	strace $0x90000046  }
0xb4: {  	s29 =	simm.s32 $0x9;
	_ =	strace $0x80000048  }
0xb5: {  	_ =	swait.ge [sflag:s29], $0x1  }
0xb6: {  	[sflag:s29] =	ssyncadd.s32 $0xFFFFFFFF  }
0xb7: {  	_ =	strace $0x90000048  }
0xb8: {  	_ =	sfence  }
0xb9: {  	s30 =	sld [smem:$0x0];
	_ =	sdelay $0x2  }
0xba: {  	s31 =	sshll.u32 s1, $0xD;
	s1 =	sshrl.u32 s1, $0x2  }
0xbb: {  	s3 =	sand.u32 $0x4000, s31;
	s1 =	sadd.s32 s1, s30  }
0xbc: {  	s0 =	sor.u32 s3, s0;
	s1 =	sshll.u32 s1, $0x11  }
0xbd: {  	s0 =	sor.u32 s1, s0  }
0xbe: {  	s0 =	sadd.s32 $0x8F2B, s0  }
0xbf: {  	[sflag:s0] =	ssyncadd.remote.s32 $0x1  }
0xc0: {  	_ =	sfence.sel $0xFFFF  }
0xc1: {  	[dreg:$0x0] =	wrdreg $0xFFFFFFFF;
	(pc) =	sbr.abs _section_cstart, $3  }
0xc2: {  	[dreg:$0x1] =	wrdreg $0xFFFFFFFF  }
0xc3: {  	_ =	task.clear_ibuf [dreg:s8], $0x2FFFF;
	_ =	strace $0x9FFFFFFF  }
0xc4: {  	(tm) =	ssettm $0x7FFFFFFF  }
0xc5: {  	_ =	shalt  }
tec
execute0_lowered:
.L_overlay_start_1:
0x0: {  	(tag) =	ssettag $0x1  }
0x1: {  	s1 =	rddreg [dreg:$0x0]  }
0x2: {  	s9 =	rddreg [dreg:$0x1];
	s2 =	srdreg.scid  }
0x3: {  	s0 =	stileid.u32;
	s4 =	rddreg [dreg:$0x2];
	s3 =	simm.s32 $0x0  }
0x4: {  	s14 =	simm.s32 $0x4100;
	s15 =	simm.s32 $0x3;
	s16 =	simm.s32 $0x4  }
0x5: {  	s17 =	simm.s32 $0x5;
	s18 =	simm.s32 $0x6;
	s19 =	simm.s32 $0x7  }
0x6: {  	s20 =	simm.s32 $0x10;
	s21 =	simm.s32 $0x0;
	s6 =	sand.u32 $0x1, s2  }
0x7: {  	s5 =	sshll.u32 s0, $0x1;
	s2 =	rddreg [dreg:$0x3];
	s10 =	smul.u32 $0x4E20, s0  }
0x8: {  	[smem:$0x7FF] =	sst s3;
	s7 =	sadd.s32 $0x29400, s4;
	s12 =	smul.u32 $0x4E200, s0  }
0x9: {  	s5 =	sor.u32 s6, s5;
	s29 =	ssub.s32 $0x2, s6;
	s11 =	smul.u32 $0x2710, s6  }
0xa: {  	_ =	strace $0x80000047;
	s5 =	smul.u32 $0x2710, s5;
	s8 =	sshrl.u32 s29, $0x1  }
0xb: {  	s13 =	smul.u32 $0x27100, s6;
	s8 =	ssub.s32 s29, s8;
	s10 =	sadd.s32 s11, s10  }
0xc: {  	s11 =	simm.s32 $0x1;
	s5 =	sadd.s32 $0x2700, s5;
	s6 =	smax.u32 s8, $0x1  }
0xd: {  	s31 =	sadd.s32 $0x80, s10;
	s10 =	sshrl.u32 s10, $0x3;
	s30 =	sshrl.u32 s5, $0x3  }
0xe: {  	s5 =	sshll.u32 s5, $0x4;
	s8 =	sshrl.u32 s31, $0x3;
	s4 =	sadd.s32 s9, s30  }
0xf: {  	s5 =	sadd.s32 s7, s5;
	s7 =	sadd.s32 s12, s7;
	s8 =	sadd.s32 s8, s9  }
0x10: {  	s9 =	sadd.s32 s10, s9;
	s10 =	simm.s32 $0x80;
	s7 =	sadd.s32 s13, s7  }
0x11: {  	s12 =	simm.s32 $0x100;
	s13 =	simm.s32 $0x2;
	s7 =	sadd.s32 $0x800, s7  }
.LBB2_1:
0x12: {  	s22 =	sadd.s32 $0x0, s9  }
0x13: {  	[tilespmem:s3], [sflag:$0x1] =	stream.linear.gather [hbm4b:s22+s3], $0x80, $0x38;
	[tilespmem:$0x8100] =	vst v63  }
0x14: {  	s30 =	sadd.s32 $0x0, s8  }
0x15: {  	[tilespmem:s10], [sflag:$0x2] =	stream.linear.gather [hbm4b:s30+s3], $0x80, $0x38;
	[tilespmem:$0x8100] =	vst v63  }
0x16: {  	_ =	swait.ge [sflag:s11], $0x80  }
0x17: {  	[sflag:s11] =	ssyncset.done $0x0  }
0x18: {  	[sflag:s11] =	ssyncadd.s32 $0xFFFFFF80  }
0x19: {  	[tilespmem:s12], [sflag:$0x3] =	stream.indirect.gather [hbm4b:s1+s10], $0x80, s3, s10, $0xb8;
	[tilespmem:$0x8100] =	vst v63  }
0x1a: {  	_ =	swait.ge [sflag:s13], $0x80  }
0x1b: {  	[sflag:s13] =	ssyncset.done $0x0  }
0x1c: {  	[sflag:s13] =	ssyncadd.s32 $0xFFFFFF80  }
0x1d: {  	[tilespmem:s14], [sflag:$0x4] =	stream.indirect.gather [hbm4b:s1+s10], $0x80, s10, s10, $0xb8;
	[tilespmem:$0x8100] =	vst v63  }
0x1e: {  	_ =	swait.ge [sflag:s15], $0x4000  }
0x1f: {  	[sflag:s15] =	ssyncset.done $0x0  }
0x20: {  	s31 =	sadd.s32 $0xFFFFF800, s7;
	[sflag:s15] =	ssyncadd.s32 $0xFFFFC000  }
0x21: {  	[hbm4b:s31+s3] =	stream.linear.scatter [tilespmem:s12], [sflag:$0x5], $0x4000, $0x38;
	[tilespmem:$0x8100] =	vst v63  }
0x22: {  	_ =	swait.ge [sflag:s16], $0x4000  }
0x23: {  	[sflag:s16] =	ssyncset.done $0x0  }
0x24: {  	[sflag:s16] =	ssyncadd.s32 $0xFFFFC000  }
0x25: {  	[hbm4b:s7+s3] =	stream.linear.scatter [tilespmem:s14], [sflag:$0x6], $0x4000, $0x38;
	[tilespmem:$0x8100] =	vst v63  }
0x26: {  	_ =	swait.ge [sflag:s17], $0x4000  }
0x27: {  	[sflag:s17] =	ssyncset.done $0x0  }
0x28: {  	[sflag:s17] =	ssyncadd.s32 $0xFFFFC000  }
0x29: {  	s23 =	simm.s32 $0x20;
	_ =	swait.ge [sflag:s18], $0x4000  }
0x2a: {  	s24 =	simm.s32 $0x40;
	s22 =	sadd.s32 $0x1000, s7;
	[sflag:s18] =	ssyncset.done $0x0  }
.LBB2_2:
0x2b: {  	s25 =	sadd.s32 s23, s9  }
0x2c: {  	[sflag:s18] =	ssyncadd.s32 $0xFFFFC000;
	s26 =	smov.u32 s24;
	s28 =	sadd.s32 $0x20, s24  }
0x2d: {  	[tilespmem:s3], [sflag:$0x1] =	stream.linear.gather [hbm4b:s25+s3], $0x80, $0x38;
	[tilespmem:$0x8100] =	vst v63  }
0x2e: {  	p0 =	sne.s32 s24, $0x4C0;
	s24 =	sadd.s32 s23, s8;
	s23 =	smov.u32 s26  }
0x2f: {  	[tilespmem:s10], [sflag:$0x2] =	stream.linear.gather [hbm4b:s24+s3], $0x80, $0x38;
	[tilespmem:$0x8100] =	vst v63  }
0x30: {  	_ =	swait.ge [sflag:s11], $0x80  }
0x31: {  	[sflag:s11] =	ssyncset.done $0x0  }
0x32: {  	[sflag:s11] =	ssyncadd.s32 $0xFFFFFF80  }
0x33: {  	[tilespmem:s12], [sflag:$0x3] =	stream.indirect.gather [hbm4b:s1+s10], $0x80, s3, s10, $0xb8;
	[tilespmem:$0x8100] =	vst v63  }
0x34: {  	_ =	swait.ge [sflag:s13], $0x80  }
0x35: {  	[sflag:s13] =	ssyncset.done $0x0  }
0x36: {  	[sflag:s13] =	ssyncadd.s32 $0xFFFFFF80  }
0x37: {  	[tilespmem:s14], [sflag:$0x4] =	stream.indirect.gather [hbm4b:s1+s10], $0x80, s10, s10, $0xb8;
	[tilespmem:$0x8100] =	vst v63  }
0x38: {  	_ =	swait.ge [sflag:s15], $0x4000  }
0x39: {  	[sflag:s15] =	ssyncset.done $0x0  }
0x3a: {  	s24 =	sadd.s32 $0xFFFFF800, s22;
	[sflag:s15] =	ssyncadd.s32 $0xFFFFC000  }
0x3b: {  	[hbm4b:s24+s3] =	stream.linear.scatter [tilespmem:s12], [sflag:$0x5], $0x4000, $0x38;
	[tilespmem:$0x8100] =	vst v63  }
0x3c: {  	_ =	swait.ge [sflag:s16], $0x4000  }
0x3d: {  	[sflag:s16] =	ssyncset.done $0x0  }
0x3e: {  	[sflag:s16] =	ssyncadd.s32 $0xFFFFC000  }
0x3f: {  	[hbm4b:s22+s3] =	stream.linear.scatter [tilespmem:s14], [sflag:$0x6], $0x4000, $0x38;
	[tilespmem:$0x8100] =	vst v63  }
.Ltmp0:
0x40: {  	_ =	swait.ge [sflag:s17], $0x4000;
	(pc) =	sbr.rel @p0 .LBB2_2-.Ltmp0, $4  }
0x41: {  	[sflag:s17] =	ssyncset.done $0x0  }
0x42: {  	[sflag:s17] =	ssyncadd.s32 $0xFFFFC000  }
0x43: {  	_ =	swait.ge [sflag:s18], $0x4000  }
0x44: {  	s24 =	smov.u32 s28;
	s22 =	sadd.s32 $0x1000, s22;
	[sflag:s18] =	ssyncset.done $0x0  }
0x45: {  	s24 =	sadd.s32 s23, s9;
	[sflag:s18] =	ssyncadd.s32 $0xFFFFC000  }
0x46: {  	[tilespmem:s3], [sflag:$0x1] =	stream.linear.gather [hbm4b:s24+s3], $0x80, $0x38;
	[tilespmem:$0x8100] =	vst v63  }
0x47: {  	s30 =	sadd.s32 s23, s8  }
0x48: {  	[tilespmem:s10], [sflag:$0x2] =	stream.linear.gather [hbm4b:s30+s3], $0x80, $0x38;
	[tilespmem:$0x8100] =	vst v63  }
0x49: {  	_ =	swait.ge [sflag:s11], $0x80  }
0x4a: {  	[sflag:s11] =	ssyncset.done $0x0  }
0x4b: {  	[sflag:s11] =	ssyncadd.s32 $0xFFFFFF80  }
0x4c: {  	[tilespmem:s12], [sflag:$0x3] =	stream.indirect.gather [hbm4b:s1+s10], $0x80, s3, s10, $0xb8;
	[tilespmem:$0x8100] =	vst v63  }
0x4d: {  	_ =	swait.ge [sflag:s13], $0x80  }
0x4e: {  	[sflag:s13] =	ssyncset.done $0x0  }
0x4f: {  	[sflag:s13] =	ssyncadd.s32 $0xFFFFFF80  }
0x50: {  	[tilespmem:s14], [sflag:$0x4] =	stream.indirect.gather [hbm4b:s1+s10], $0x80, s10, s10, $0xb8;
	[tilespmem:$0x8100] =	vst v63  }
0x51: {  	_ =	swait.ge [sflag:s15], $0x4000  }
0x52: {  	[sflag:s15] =	ssyncset.done $0x0  }
0x53: {  	s31 =	sadd.s32 $0xFFFFF800, s22;
	[sflag:s15] =	ssyncadd.s32 $0xFFFFC000  }
0x54: {  	[hbm4b:s31+s3] =	stream.linear.scatter [tilespmem:s12], [sflag:$0x5], $0x4000, $0x38;
	[tilespmem:$0x8100] =	vst v63  }
0x55: {  	_ =	swait.ge [sflag:s16], $0x4000  }
0x56: {  	[sflag:s16] =	ssyncset.done $0x0  }
0x57: {  	[sflag:s16] =	ssyncadd.s32 $0xFFFFC000  }
0x58: {  	[hbm4b:s22+s3] =	stream.linear.scatter [tilespmem:s14], [sflag:$0x6], $0x4000, $0x38;
	[tilespmem:$0x8100] =	vst v63  }
0x59: {  	_ =	swait.ge [sflag:s17], $0x4000  }
0x5a: {  	[sflag:s17] =	ssyncset.done $0x0  }
0x5b: {  	[sflag:s17] =	ssyncadd.s32 $0xFFFFC000  }
0x5c: {  	_ =	swait.ge [sflag:s18], $0x4000  }
0x5d: {  	[sflag:s18] =	ssyncset.done $0x0  }
0x5e: {  	[sflag:s18] =	ssyncadd.s32 $0xFFFFC000  }
0x5f: {  	[tilespmem:s3], [sflag:$0x7] =	stream.linear.gather [hbm4b:s4+s3], $0x10, $0x38;
	[tilespmem:$0x8100] =	vst v63  }
0x60: {  	_ =	swait.ge [sflag:s19], $0x10  }
0x61: {  	[sflag:s19] =	ssyncset.done $0x0  }
0x62: {  	[sflag:s19] =	ssyncadd.s32 $0xFFFFFFF0  }
0x63: {  	[tilespmem:s12], [sflag:$0x3] =	stream.indirect.gather [hbm4b:s1+s20], $0x80, s3, s20, $0xb8;
	[tilespmem:$0x8100] =	vst v63  }
0x64: {  	s21 =	sadd.s32 $0x1, s21;
	_ =	swait.ge [sflag:s15], $0x800  }
0x65: {  	p0 =	sne.s32 s21, s6;
	[sflag:s15] =	ssyncset.done $0x0  }
.Ltmp1:
0x66: {  	[sflag:s15] =	ssyncadd.s32 $0xFFFFF800;
	(pc) =	sbr.rel @p0 .LBB2_1-.Ltmp1, $4  }
0x67: {  	[hbm4b:s5+s3] =	stream.linear.scatter [tilespmem:s12], [sflag:$0x7], $0x800, $0x38;
	[tilespmem:$0x8100] =	vst v63  }
0x68: {  	_ =	swait.ge [sflag:s19], $0x800  }
0x69: {  	[sflag:s19] =	ssyncset.done $0x0  }
0x6a: {  	[sflag:s19] =	ssyncadd.s32 $0xFFFFF800  }
0x6b: {  	_ =	sfence.sel $0x180000  }
0x6c: {  	[bflag:$0x0] =	sbarrier.arrive $0xFFFF  }
0x6d: {  	p0 =	sne.s32 s0, $0x0;
	_ =	strace $0x90000047  }
0x6e: {  	s0 =	sadd.s32 @!p0 $0x100000, s2;
	[bflag:$0x2] =	sbarrier.arrive $0xFFFF  }
0x6f: {  	[sflag:s0] =	ssyncadd.tile.s32 @!p0 $0x1;
	_ =	shalt  }
.Lfunc_end2:
_tile_overlayer_lowered:
.L_overlay_start_2:
0x70: {  	(tag) =	ssettag $0x2  }
0x71: {  	s0 =	rddreg [dreg:$0x0];
	s2 =	stileid.u32  }
0x72: {  	s1 =	rddreg [dreg:$0x1];
	p0 =	sne.s32 s2, $0x0  }
0x73: {  	s3 =	rddreg [dreg:$0x2];
	[bflag:$0x3] =	sbarrier.arrive $0xFFFF;
	s2 =	simm.s32 @!p0 $0x1C07  }
0x74: {  	[timem:s3], [sflag:s2] =	dma.local @!p0 [hbm:s0], s1  }
0x75: {  	s0 =	simm.s32 @!p0 $0x7  }
0x76: {  	_ =	swait.ge @!p0 [sflag:s0], s1  }
0x77: {  	s1 =	ssub.s32 @!p0 $0x0, s1;
	[sflag:s0] =	ssyncset.done @!p0 $0x0  }
0x78: {  	[sflag:s0] =	ssyncadd.s32 @!p0 s1  }
0x79: {  	[bflag:$0x3] =	sbarrier.arrive $0xFFFF  }
0x7a: {  	_ =	shalt  }

</sc_bundles>
